<compile_context>
chip_gen: v7x
topology: tpu7x:2x2x1
jax: 0.10.2.dev20260603
libtpu: 0.0.44.dev20260713+nightly
codegen_flags: <defaults>
</compile_context>

<pallas_src>
import functools

import jax
import jax.numpy as jnp
from jax import lax
from jax.experimental import pallas as pl
from jax.experimental.pallas import tpu as pltpu
from jax.experimental.pallas import tpu_sc as plsc

N = 10000
E = 320000
C = 128
HID = 128
OUT_C = 64
G = 64

KE = 128
NCH = E // KE
NC, NS = 2, 16
NW = NC * NS
EPW = NCH // NW
TAIL = NCH - EPW * NW
EMAIN = EPW * NW * KE
CSO = 2000
NZO = N // CSO
TINIT = (NZO + NS - 1) // NS
NBUF = 3
NGRP = EPW // NBUF

BN = 1000
NB = N // BN


def _seg_sum_body(with_deg, *refs):
    if with_deg:
        (table, srcp, dstp, srct, dstt, zrows, ones_hbm, part, degpart,
         s0, s1, s2, d0, d1, d2, r0, r1, r2, gsem, ssem, isem, acc) = refs
    else:
        (table, srcp, dstp, srct, dstt, zrows, part,
         s0, s1, s2, d0, d1, d2, r0, r1, r2, gsem, ssem, isem, acc) = refs
    rows = (r0, r1, r2)
    didx = (d0, d1, d2)
    sidx = (s0, s1, s2)

    c = lax.axis_index("c")
    s = lax.axis_index("s")
    w = s * NC + c

    for t in range(TINIT):
        j = s + NS * t

        @pl.when(j < NZO)
        def _(j=j):
            base = pl.multiple_of(j * CSO, 8)
            pltpu.sync_copy(zrows, acc.at[pl.ds(base, CSO)])

    plsc.subcore_barrier()

    @pl.loop(0, NGRP)
    def _(g):
        j0 = g * NBUF
        isd = []
        ids = []
        for b in range(NBUF):
            isd.append(pltpu.async_copy(srcp.at[w, j0 + b], sidx[b], isem))
            ids.append(pltpu.async_copy(dstp.at[w, j0 + b], didx[b], isem))
        gds = []
        for b in range(NBUF):
            isd[b].wait()
            gds.append(pltpu.async_copy(
                table.at[sidx[b]], rows[b], gsem))
        sds = []
        for b in range(NBUF):
            ids[b].wait()
            gds[b].wait()
            sds.append(pltpu.async_copy(
                rows[b], acc.at[didx[b]], ssem, add=True))
        for b in range(NBUF):
            sds[b].wait()

    @pl.when(w < TAIL)
    def _():
        pltpu.sync_copy(srct.at[w], d0)
        pltpu.sync_copy(dstt.at[w], d1)
        pltpu.async_copy(table.at[d0], r0, gsem).wait()
        pltpu.sync_copy(r0, acc.at[d1], add=True)

    plsc.subcore_barrier()

    for t in range(TINIT):
        j = s + NS * t

        @pl.when(j < NZO)
        def _(j=j):
            base = pl.multiple_of(j * CSO, 8)
            pltpu.sync_copy(acc.at[pl.ds(base, CSO)],
                            part.at[c, pl.ds(base, CSO)])

    if with_deg:
        plsc.subcore_barrier()

        pltpu.sync_copy(ones_hbm, r0)

        for t in range(TINIT):
            j = s + NS * t

            @pl.when(j < NZO)
            def _(j=j):
                base = pl.multiple_of(j * CSO, 8)
                pltpu.sync_copy(zrows, acc.at[pl.ds(base, CSO)])

        plsc.subcore_barrier()

        @pl.loop(0, NGRP)
        def _(g):
            j0 = g * NBUF
            ids = []
            for b in range(NBUF):
                ids.append(pltpu.async_copy(dstp.at[w, j0 + b], didx[b], isem))
            sds = []
            for b in range(NBUF):
                ids[b].wait()
                sds.append(pltpu.async_copy(
                    r0, acc.at[didx[b]], ssem, add=True))
            for b in range(NBUF):
                sds[b].wait()

        @pl.when(w < TAIL)
        def _():
            pltpu.sync_copy(dstt.at[w], d1)
            pltpu.sync_copy(r0, acc.at[d1], add=True)

        plsc.subcore_barrier()

        for t in range(TINIT):
            j = s + NS * t

            @pl.when(j < NZO)
            def _(j=j):
                base = pl.multiple_of(j * CSO, 8)
                pltpu.sync_copy(acc.at[pl.ds(base, CSO)],
                                degpart.at[c, pl.ds(base, CSO)])


_SC_MESH = plsc.VectorSubcoreMesh(core_axis_name="c", subcore_axis_name="s")


def _sc_scratch():
    return [
        pltpu.VMEM((KE,), jnp.int32),
        pltpu.VMEM((KE,), jnp.int32),
        pltpu.VMEM((KE,), jnp.int32),
        pltpu.VMEM((KE,), jnp.int32),
        pltpu.VMEM((KE,), jnp.int32),
        pltpu.VMEM((KE,), jnp.int32),
        pltpu.VMEM((KE, C), jnp.float32),
        pltpu.VMEM((KE, C), jnp.float32),
        pltpu.VMEM((KE, C), jnp.float32),
        pltpu.SemaphoreType.DMA,
        pltpu.SemaphoreType.DMA,
        pltpu.SemaphoreType.DMA,
        pltpu.MemorySpace.VMEM_SHARED((N, C), jnp.float32),
    ]


_seg_sum_deg = pl.kernel(
    functools.partial(_seg_sum_body, True),
    out_type=(
        jax.ShapeDtypeStruct((NC, N, C), jnp.float32),
        jax.ShapeDtypeStruct((NC, N, C), jnp.float32),
    ),
    mesh=_SC_MESH,
    scratch_types=_sc_scratch(),
)

_seg_sum = pl.kernel(
    functools.partial(_seg_sum_body, False),
    out_type=jax.ShapeDtypeStruct((NC, N, C), jnp.float32),
    mesh=_SC_MESH,
    scratch_types=_sc_scratch(),
)


def _dot_t(a, b):
    return lax.dot_general(a, b, (((1,), (1,)), ((), ())),
                           preferred_element_type=jnp.float32,
                           precision=lax.Precision.HIGHEST)


def _layer_body(part, degp, x, wl, bl, wr, out):
    p = part[0] + part[1]
    deg = degp[0, :, 0] + degp[1, :, 0]
    aggn = p / jnp.clip(deg, 1.0, None)[:, None]
    h = _dot_t(aggn, wl[...]) + bl[...] + _dot_t(x[...], wr[...])
    out[...] = jnp.maximum(h, 0.0)


def _layer2_pool_body(part, degp, h0, wl, bl, wr, batch, wlin, blin, out,
                      pooled, cnt):
    i = pl.program_id(0)

    @pl.when(i == 0)
    def _():
        pooled[...] = jnp.zeros((G, HID), jnp.float32)
        cnt[...] = jnp.zeros((1, G), jnp.float32)

    p = part[0] + part[1]
    deg = degp[0, :, 0] + degp[1, :, 0]
    aggn = p / jnp.clip(deg, 1.0, None)[:, None]
    h1 = jnp.maximum(_dot_t(aggn, wl[...]) + bl[...] + _dot_t(h0[...], wr[...]),
                     0.0)
    bids = batch[0, 0, :]
    gids = lax.broadcasted_iota(jnp.int32, (G, BN), 0)
    m = (bids[None, :] == gids).astype(jnp.float32)
    pooled[...] += lax.dot_general(m, h1, (((1,), (0,)), ((), ())),
                                   preferred_element_type=jnp.float32,
                                   precision=lax.Precision.HIGHEST)
    cnt[...] += jnp.sum(m, axis=1)[None, :]

    @pl.when(i == NB - 1)
    def _():
        pn = pooled[...] / jnp.clip(cnt[0, :], 1.0, None)[:, None]
        out[...] = _dot_t(pn, wlin[...]) + blin[...]


def kernel(x, edge_index, batch, Wl0, bl0, Wr0, Wl1, bl1, Wr1, W_lin, b_lin):
    src = edge_index[0]
    dst = edge_index[1]
    srcp = src[:EMAIN].reshape(NW, EPW, KE)
    dstp = dst[:EMAIN].reshape(NW, EPW, KE)
    srct = src[EMAIN:].reshape(TAIL, KE)
    dstt = dst[EMAIN:].reshape(TAIL, KE)
    zrows = jnp.zeros((CSO, C), jnp.float32)
    ones_rows = jnp.ones((KE, C), jnp.float32)
    batch3d = batch.reshape(NB, 1, BN)
    bl0r = bl0.reshape(1, HID)
    bl1r = bl1.reshape(1, HID)
    blinr = b_lin.reshape(1, OUT_C)

    part0, degpart = _seg_sum_deg(x, srcp, dstp, srct, dstt, zrows, ones_rows)

    h0 = pl.pallas_call(
        _layer_body,
        grid=(NB,),
        in_specs=[
            pl.BlockSpec((NC, BN, C), lambda i: (0, i, 0)),
            pl.BlockSpec((NC, BN, C), lambda i: (0, i, 0)),
            pl.BlockSpec((BN, C), lambda i: (i, 0)),
            pl.BlockSpec((HID, C), lambda i: (0, 0)),
            pl.BlockSpec((1, HID), lambda i: (0, 0)),
            pl.BlockSpec((HID, C), lambda i: (0, 0)),
        ],
        out_specs=pl.BlockSpec((BN, HID), lambda i: (i, 0)),
        out_shape=jax.ShapeDtypeStruct((N, HID), jnp.float32),
    )(part0, degpart, x, Wl0, bl0r, Wr0)

    part1 = _seg_sum(h0, srcp, dstp, srct, dstt, zrows)

    out = pl.pallas_call(
        _layer2_pool_body,
        grid=(NB,),
        in_specs=[
            pl.BlockSpec((NC, BN, HID), lambda i: (0, i, 0)),
            pl.BlockSpec((NC, BN, C), lambda i: (0, i, 0)),
            pl.BlockSpec((BN, HID), lambda i: (i, 0)),
            pl.BlockSpec((HID, HID), lambda i: (0, 0)),
            pl.BlockSpec((1, HID), lambda i: (0, 0)),
            pl.BlockSpec((HID, HID), lambda i: (0, 0)),
            pl.BlockSpec((1, 1, BN), lambda i: (i, 0, 0)),
            pl.BlockSpec((OUT_C, HID), lambda i: (0, 0)),
            pl.BlockSpec((1, OUT_C), lambda i: (0, 0)),
        ],
        out_specs=pl.BlockSpec((G, OUT_C), lambda i: (0, 0)),
        out_shape=jax.ShapeDtypeStruct((G, OUT_C), jnp.float32),
        scratch_shapes=[
            pltpu.VMEM((G, HID), jnp.float32),
            pltpu.VMEM((1, G), jnp.float32),
        ],
    )(part1, degpart, h0, Wl1, bl1r, Wr1, batch3d, W_lin, blinr)

    return out

# --- scband reference (transcript-rebuilt; emitter-appended) ---
"""Pipeline reference for scband-gcn-gc-29394756174083 (READ-ONLY COPY).

The authoritative reference and input builder live on the scoring server;
editing this copy changes nothing except your own understanding.
"""

import jax, jax.numpy as jnp
import numpy as np

N = 10000
E = 320000
IN_C = 128
HID = 128
OUT_C = 64
NUM_GRAPHS = 64


def setup_inputs(seed: int = 0):
    key = jax.random.key(seed)
    ks = jax.random.split(key, 12)
    scale = 0.05
    x = jax.random.normal(ks[0], (N, IN_C), dtype=jnp.float32)
    edge_index = jax.random.randint(ks[1], (2, E), 0, N)
    batch = jnp.sort(jax.random.randint(ks[2], (N,), 0, NUM_GRAPHS))
    Wl0 = jax.random.normal(ks[3], (HID, IN_C), dtype=jnp.float32) * scale
    bl0 = jnp.zeros((HID,), dtype=jnp.float32)
    Wr0 = jax.random.normal(ks[4], (HID, IN_C), dtype=jnp.float32) * scale
    Wl1 = jax.random.normal(ks[5], (HID, HID), dtype=jnp.float32) * scale
    bl1 = jnp.zeros((HID,), dtype=jnp.float32)
    Wr1 = jax.random.normal(ks[6], (HID, HID), dtype=jnp.float32) * scale
    W_lin = jax.random.normal(ks[7], (OUT_C, HID), dtype=jnp.float32) * scale
    b_lin = jnp.zeros((OUT_C,), dtype=jnp.float32)
    return {"x": x, "edge_index": edge_index, "batch": batch,
            "Wl0": Wl0, "bl0": bl0, "Wr0": Wr0,
            "Wl1": Wl1, "bl1": bl1, "Wr1": Wr1,
            "W_lin": W_lin, "b_lin": b_lin}


def _sage_conv(x, src, dst, Wl, bl, Wr):
    # PyG SAGEConv (mean aggr): out = lin_l(mean_{j in N(i)} x_j) + lin_r(x_i)
    msg = x[src]
    agg = jax.ops.segment_sum(msg, dst, num_segments=N)
    deg = jax.ops.segment_sum(jnp.ones((src.shape[0],), dtype=x.dtype), dst, num_segments=N)
    agg = agg / jnp.clip(deg, 1.0, None)[:, None]
    return agg @ Wl.T + bl + x @ Wr.T


def reference(x, edge_index, batch, Wl0, bl0, Wr0, Wl1, bl1, Wr1, W_lin, b_lin):
    src = edge_index[0]
    dst = edge_index[1]
    # training=False -> dropout is identity
    h = jax.nn.relu(_sage_conv(x, src, dst, Wl0, bl0, Wr0))
    h = jax.nn.relu(_sage_conv(h, src, dst, Wl1, bl1, Wr1))
    # global_mean_pool over graph batch ids
    pooled = jax.ops.segment_sum(h, batch, num_segments=NUM_GRAPHS)
    counts = jax.ops.segment_sum(jnp.ones((N,), dtype=h.dtype), batch, num_segments=NUM_GRAPHS)
    pooled = pooled / jnp.clip(counts, 1.0, None)[:, None]
    out = pooled @ W_lin.T + b_lin
    return out

if __name__ == "__main__":
    import jax
    _d = setup_inputs()
    print(jax.jit(kernel)(*tuple(_d.values())))

</pallas_src>

<mosaic_0001>
#map = affine_map<(d0, d1) -> (0, 0)>
#map1 = affine_map<(d0, d1) -> (0, 0, 0)>
module attributes {stable_mosaic.version = 14 : i64} {
  func.func @_seg_sum_body(%arg0: i32, %arg1: i32, %arg2: memref<10000x128xf32, #tpu.memory_space<hbm>>, %arg3: memref<32x78x128xi32, #tpu.memory_space<hbm>>, %arg4: memref<32x78x128xi32, #tpu.memory_space<hbm>>, %arg5: memref<4x128xi32, #tpu.memory_space<hbm>>, %arg6: memref<4x128xi32, #tpu.memory_space<hbm>>, %arg7: memref<2000x128xf32, #tpu.memory_space<hbm>>, %arg8: memref<128x128xf32, #tpu.memory_space<hbm>>, %arg9: memref<2x10000x128xf32, #tpu.memory_space<hbm>>, %arg10: memref<2x10000x128xf32, #tpu.memory_space<hbm>>, %arg11: memref<128xi32, #tpu.memory_space<vmem>>, %arg12: memref<128xi32, #tpu.memory_space<vmem>>, %arg13: memref<128xi32, #tpu.memory_space<vmem>>, %arg14: memref<128xi32, #tpu.memory_space<vmem>>, %arg15: memref<128xi32, #tpu.memory_space<vmem>>, %arg16: memref<128xi32, #tpu.memory_space<vmem>>, %arg17: memref<128x128xf32, #tpu.memory_space<vmem>>, %arg18: memref<128x128xf32, #tpu.memory_space<vmem>>, %arg19: memref<128x128xf32, #tpu.memory_space<vmem>>, %arg20: memref<!tpu.dma_semaphore, #tpu.memory_space<semaphore_mem>>, %arg21: memref<!tpu.dma_semaphore, #tpu.memory_space<semaphore_mem>>, %arg22: memref<!tpu.dma_semaphore, #tpu.memory_space<semaphore_mem>>, %arg23: memref<10000x128xf32, #tpu.memory_space<vmem_shared>>) attributes {dimension_semantics = [#tpu.dimension_semantics<core_parallel>, #tpu.dimension_semantics<subcore_parallel>], iteration_bounds = array<i64: 2, 16>, scalar_prefetch = 0 : i64, scratch_operands = 13 : i64, tpu.core_type = #tpu.core_type<sc_vector_subcore>, window_params = [{transform_indices = #map}, {transform_indices = #map1}, {transform_indices = #map1}, {transform_indices = #map}, {transform_indices = #map}, {transform_indices = #map}, {transform_indices = #map}, {transform_indices = #map1}, {transform_indices = #map1}]} {
    %mul3A = arith.constant 2 : i32
    %mul3A_0 = arith.muli %arg1, %mul3A : i32
    %add3A = arith.addi %mul3A_0, %arg0 : i32
    %add3A_1 = arith.constant 0 : i32
    %add3A_2 = arith.addi %arg1, %add3A_1 : i32
    %lt3A = arith.constant 5 : i32
    %lt3A_3 = arith.cmpi slt, %add3A_2, %lt3A : i32
    %convert_element_type3A = arith.extui %lt3A_3 : i1 to i32
    %cond3A = arith.constant 0 : i32
    %cond3A_4 = arith.cmpi ne, %convert_element_type3A, %cond3A : i32
    scf.if %cond3A_4 {
      %mul3A_49 = arith.constant 2000 : i32
      %mul3A_50 = arith.muli %add3A_2, %mul3A_49 : i32
      %multiple_of3A = tpu.assume_multiple %mul3A_50, 8 : i32
      "tpu.region"() ({
        %run_scoped3A = tpu.sem_alloc : memref<!tpu.dma_semaphore, #tpu.memory_space<semaphore_mem>>
        %dma_start3A = arith.constant 0 : i32
        %dma_start3A_51 = tpu.memref_slice %arg23[%multiple_of3A, %dma_start3A] : memref<10000x128xf32, #tpu.memory_space<vmem_shared>> -> memref<2000x128xf32, #tpu.memory_space<vmem_shared>>
        tpu.enqueue_dma source(%arg7 : memref<2000x128xf32, #tpu.memory_space<hbm>>) target(%dma_start3A_51 : memref<2000x128xf32, #tpu.memory_space<vmem_shared>>) target_semaphore(%run_scoped3A : memref<!tpu.dma_semaphore, #tpu.memory_space<semaphore_mem>>)
        %dma_wait3A = arith.constant 0 : i32
        %dma_wait3A_52 = tpu.memref_slice %arg23[%multiple_of3A, %dma_wait3A] : memref<10000x128xf32, #tpu.memory_space<vmem_shared>> -> memref<2000x128xf32, #tpu.memory_space<vmem_shared>>
        tpu.wait_dma2 semaphore(%run_scoped3A : memref<!tpu.dma_semaphore, #tpu.memory_space<semaphore_mem>>) src(%arg7 : memref<2000x128xf32, #tpu.memory_space<hbm>>) dst(%dma_wait3A_52 : memref<2000x128xf32, #tpu.memory_space<vmem_shared>>)
        tpu.yield
      }) : () -> ()
    } else {
    }
    %barrier3A = arith.constant 0 : index
    tpu.barrier barrier_id(%barrier3A)
    %scan3A = arith.constant 0 : i32
    %scan3A_5 = arith.constant 26 : i32
    %scan3A_6 = arith.addi %scan3A, %scan3A_5 : i32
    %scan3A_7 = arith.constant 1 : i32
    scf.for %scan3A_49 = %scan3A to %scan3A_6 step %scan3A_7  : i32 {
      %mul3A_50 = arith.constant 1 : i32
      %mul3A_51 = arith.muli %scan3A_49, %mul3A_50 : i32
      %add3A_52 = arith.constant 0 : i32
      %add3A_53 = arith.addi %add3A_52, %mul3A_51 : i32
      %mul3A_54 = arith.constant 3 : i32
      %mul3A_55 = arith.muli %add3A_53, %mul3A_54 : i32
      %add3A_56 = arith.constant 0 : i32
      %add3A_57 = arith.addi %mul3A_55, %add3A_56 : i32
      %dma_start3A = arith.constant 0 : i32
      %dma_start3A_58 = tpu.memref_slice %arg3[%add3A, %add3A_57, %dma_start3A] : memref<32x78x128xi32, #tpu.memory_space<hbm>> -> memref<1x1x128xi32, #tpu.memory_space<hbm>>
      %dma_start3A_59 = tpu.memref_squeeze %dma_start3A_58 : memref<1x1x128xi32, #tpu.memory_space<hbm>> -> memref<128xi32, #tpu.memory_space<hbm>>
      %dma_start3A_60 = arith.constant 0 : i32
      %dma_start3A_61 = tpu.memref_slice %arg3[%add3A, %add3A_57, %dma_start3A_60] : memref<32x78x128xi32, #tpu.memory_space<hbm>> -> memref<1x1x128xi32, #tpu.memory_space<hbm>>
      %dma_start3A_62 = tpu.memref_squeeze %dma_start3A_61 : memref<1x1x128xi32, #tpu.memory_space<hbm>> -> memref<128xi32, #tpu.memory_space<hbm>>
      tpu.enqueue_dma source(%dma_start3A_62 : memref<128xi32, #tpu.memory_space<hbm>>) target(%arg11 : memref<128xi32, #tpu.memory_space<vmem>>) target_semaphore(%arg22 : memref<!tpu.dma_semaphore, #tpu.memory_space<semaphore_mem>>)
      %add3A_63 = arith.constant 0 : i32
      %add3A_64 = arith.addi %mul3A_55, %add3A_63 : i32
      %dma_start3A_65 = arith.constant 0 : i32
      %dma_start3A_66 = tpu.memref_slice %arg4[%add3A, %add3A_64, %dma_start3A_65] : memref<32x78x128xi32, #tpu.memory_space<hbm>> -> memref<1x1x128xi32, #tpu.memory_space<hbm>>
      %dma_start3A_67 = tpu.memref_squeeze %dma_start3A_66 : memref<1x1x128xi32, #tpu.memory_space<hbm>> -> memref<128xi32, #tpu.memory_space<hbm>>
      %dma_start3A_68 = arith.constant 0 : i32
      %dma_start3A_69 = tpu.memref_slice %arg4[%add3A, %add3A_64, %dma_start3A_68] : memref<32x78x128xi32, #tpu.memory_space<hbm>> -> memref<1x1x128xi32, #tpu.memory_space<hbm>>
      %dma_start3A_70 = tpu.memref_squeeze %dma_start3A_69 : memref<1x1x128xi32, #tpu.memory_space<hbm>> -> memref<128xi32, #tpu.memory_space<hbm>>
      tpu.enqueue_dma source(%dma_start3A_70 : memref<128xi32, #tpu.memory_space<hbm>>) target(%arg14 : memref<128xi32, #tpu.memory_space<vmem>>) target_semaphore(%arg22 : memref<!tpu.dma_semaphore, #tpu.memory_space<semaphore_mem>>)
      %add3A_71 = arith.constant 1 : i32
      %add3A_72 = arith.addi %mul3A_55, %add3A_71 : i32
      %dma_start3A_73 = arith.constant 0 : i32
      %dma_start3A_74 = tpu.memref_slice %arg3[%add3A, %add3A_72, %dma_start3A_73] : memref<32x78x128xi32, #tpu.memory_space<hbm>> -> memref<1x1x128xi32, #tpu.memory_space<hbm>>
      %dma_start3A_75 = tpu.memref_squeeze %dma_start3A_74 : memref<1x1x128xi32, #tpu.memory_space<hbm>> -> memref<128xi32, #tpu.memory_space<hbm>>
      %dma_start3A_76 = arith.constant 0 : i32
      %dma_start3A_77 = tpu.memref_slice %arg3[%add3A, %add3A_72, %dma_start3A_76] : memref<32x78x128xi32, #tpu.memory_space<hbm>> -> memref<1x1x128xi32, #tpu.memory_space<hbm>>
      %dma_start3A_78 = tpu.memref_squeeze %dma_start3A_77 : memref<1x1x128xi32, #tpu.memory_space<hbm>> -> memref<128xi32, #tpu.memory_space<hbm>>
      tpu.enqueue_dma source(%dma_start3A_78 : memref<128xi32, #tpu.memory_space<hbm>>) target(%arg12 : memref<128xi32, #tpu.memory_space<vmem>>) target_semaphore(%arg22 : memref<!tpu.dma_semaphore, #tpu.memory_space<semaphore_mem>>)
      %add3A_79 = arith.constant 1 : i32
      %add3A_80 = arith.addi %mul3A_55, %add3A_79 : i32
      %dma_start3A_81 = arith.constant 0 : i32
      %dma_start3A_82 = tpu.memref_slice %arg4[%add3A, %add3A_80, %dma_start3A_81] : memref<32x78x128xi32, #tpu.memory_space<hbm>> -> memref<1x1x128xi32, #tpu.memory_space<hbm>>
      %dma_start3A_83 = tpu.memref_squeeze %dma_start3A_82 : memref<1x1x128xi32, #tpu.memory_space<hbm>> -> memref<128xi32, #tpu.memory_space<hbm>>
      %dma_start3A_84 = arith.constant 0 : i32
      %dma_start3A_85 = tpu.memref_slice %arg4[%add3A, %add3A_80, %dma_start3A_84] : memref<32x78x128xi32, #tpu.memory_space<hbm>> -> memref<1x1x128xi32, #tpu.memory_space<hbm>>
      %dma_start3A_86 = tpu.memref_squeeze %dma_start3A_85 : memref<1x1x128xi32, #tpu.memory_space<hbm>> -> memref<128xi32, #tpu.memory_space<hbm>>
      tpu.enqueue_dma source(%dma_start3A_86 : memref<128xi32, #tpu.memory_space<hbm>>) target(%arg15 : memref<128xi32, #tpu.memory_space<vmem>>) target_semaphore(%arg22 : memref<!tpu.dma_semaphore, #tpu.memory_space<semaphore_mem>>)
      %add3A_87 = arith.constant 2 : i32
      %add3A_88 = arith.addi %mul3A_55, %add3A_87 : i32
      %dma_start3A_89 = arith.constant 0 : i32
      %dma_start3A_90 = tpu.memref_slice %arg3[%add3A, %add3A_88, %dma_start3A_89] : memref<32x78x128xi32, #tpu.memory_space<hbm>> -> memref<1x1x128xi32, #tpu.memory_space<hbm>>
      %dma_start3A_91 = tpu.memref_squeeze %dma_start3A_90 : memref<1x1x128xi32, #tpu.memory_space<hbm>> -> memref<128xi32, #tpu.memory_space<hbm>>
      %dma_start3A_92 = arith.constant 0 : i32
      %dma_start3A_93 = tpu.memref_slice %arg3[%add3A, %add3A_88, %dma_start3A_92] : memref<32x78x128xi32, #tpu.memory_space<hbm>> -> memref<1x1x128xi32, #tpu.memory_space<hbm>>
      %dma_start3A_94 = tpu.memref_squeeze %dma_start3A_93 : memref<1x1x128xi32, #tpu.memory_space<hbm>> -> memref<128xi32, #tpu.memory_space<hbm>>
      tpu.enqueue_dma source(%dma_start3A_94 : memref<128xi32, #tpu.memory_space<hbm>>) target(%arg13 : memref<128xi32, #tpu.memory_space<vmem>>) target_semaphore(%arg22 : memref<!tpu.dma_semaphore, #tpu.memory_space<semaphore_mem>>)
      %add3A_95 = arith.constant 2 : i32
      %add3A_96 = arith.addi %mul3A_55, %add3A_95 : i32
      %dma_start3A_97 = arith.constant 0 : i32
      %dma_start3A_98 = tpu.memref_slice %arg4[%add3A, %add3A_96, %dma_start3A_97] : memref<32x78x128xi32, #tpu.memory_space<hbm>> -> memref<1x1x128xi32, #tpu.memory_space<hbm>>
      %dma_start3A_99 = tpu.memref_squeeze %dma_start3A_98 : memref<1x1x128xi32, #tpu.memory_space<hbm>> -> memref<128xi32, #tpu.memory_space<hbm>>
      %dma_start3A_100 = arith.constant 0 : i32
      %dma_start3A_101 = tpu.memref_slice %arg4[%add3A, %add3A_96, %dma_start3A_100] : memref<32x78x128xi32, #tpu.memory_space<hbm>> -> memref<1x1x128xi32, #tpu.memory_space<hbm>>
      %dma_start3A_102 = tpu.memref_squeeze %dma_start3A_101 : memref<1x1x128xi32, #tpu.memory_space<hbm>> -> memref<128xi32, #tpu.memory_space<hbm>>
      tpu.enqueue_dma source(%dma_start3A_102 : memref<128xi32, #tpu.memory_space<hbm>>) target(%arg16 : memref<128xi32, #tpu.memory_space<vmem>>) target_semaphore(%arg22 : memref<!tpu.dma_semaphore, #tpu.memory_space<semaphore_mem>>)
      %dma_wait3A = arith.constant 0 : i32
      %dma_wait3A_103 = tpu.memref_slice %arg3[%add3A, %add3A_57, %dma_wait3A] : memref<32x78x128xi32, #tpu.memory_space<hbm>> -> memref<1x1x128xi32, #tpu.memory_space<hbm>>
      %dma_wait3A_104 = tpu.memref_squeeze %dma_wait3A_103 : memref<1x1x128xi32, #tpu.memory_space<hbm>> -> memref<128xi32, #tpu.memory_space<hbm>>
      %dma_wait3A_105 = arith.constant 0 : i32
      %dma_wait3A_106 = tpu.memref_slice %arg3[%add3A, %add3A_57, %dma_wait3A_105] : memref<32x78x128xi32, #tpu.memory_space<hbm>> -> memref<1x1x128xi32, #tpu.memory_space<hbm>>
      %dma_wait3A_107 = tpu.memref_squeeze %dma_wait3A_106 : memref<1x1x128xi32, #tpu.memory_space<hbm>> -> memref<128xi32, #tpu.memory_space<hbm>>
      tpu.wait_dma2 semaphore(%arg22 : memref<!tpu.dma_semaphore, #tpu.memory_space<semaphore_mem>>) src(%dma_wait3A_107 : memref<128xi32, #tpu.memory_space<hbm>>) dst(%arg11 : memref<128xi32, #tpu.memory_space<vmem>>)
      %dma_start3A_108 = arith.constant 0 : i32
      %dma_start3A_109 = arith.constant 0 : i32
      %dma_start3A_110 = tpu.memref_slice %arg2[%dma_start3A_108, %dma_start3A_109] : memref<10000x128xf32, #tpu.memory_space<hbm>> -> memref<10000x128xf32, #tpu.memory_space<hbm>>
      tpu.enqueue_indirect_dma source(%dma_start3A_110 : memref<10000x128xf32, #tpu.memory_space<hbm>>) target(%arg17 : memref<128x128xf32, #tpu.memory_space<vmem>>) offsets(%arg11 : memref<128xi32, #tpu.memory_space<vmem>>) semaphore(%arg20 : memref<!tpu.dma_semaphore, #tpu.memory_space<semaphore_mem>>)
      %dma_wait3A_111 = arith.constant 0 : i32
      %dma_wait3A_112 = tpu.memref_slice %arg3[%add3A, %add3A_72, %dma_wait3A_111] : memref<32x78x128xi32, #tpu.memory_space<hbm>> -> memref<1x1x128xi32, #tpu.memory_space<hbm>>
      %dma_wait3A_113 = tpu.memref_squeeze %dma_wait3A_112 : memref<1x1x128xi32, #tpu.memory_space<hbm>> -> memref<128xi32, #tpu.memory_space<hbm>>
      %dma_wait3A_114 = arith.constant 0 : i32
      %dma_wait3A_115 = tpu.memref_slice %arg3[%add3A, %add3A_72, %dma_wait3A_114] : memref<32x78x128xi32, #tpu.memory_space<hbm>> -> memref<1x1x128xi32, #tpu.memory_space<hbm>>
      %dma_wait3A_116 = tpu.memref_squeeze %dma_wait3A_115 : memref<1x1x128xi32, #tpu.memory_space<hbm>> -> memref<128xi32, #tpu.memory_space<hbm>>
      tpu.wait_dma2 semaphore(%arg22 : memref<!tpu.dma_semaphore, #tpu.memory_space<semaphore_mem>>) src(%dma_wait3A_116 : memref<128xi32, #tpu.memory_space<hbm>>) dst(%arg12 : memref<128xi32, #tpu.memory_space<vmem>>)
      %dma_start3A_117 = arith.constant 0 : i32
      %dma_start3A_118 = arith.constant 0 : i32
      %dma_start3A_119 = tpu.memref_slice %arg2[%dma_start3A_117, %dma_start3A_118] : memref<10000x128xf32, #tpu.memory_space<hbm>> -> memref<10000x128xf32, #tpu.memory_space<hbm>>
      tpu.enqueue_indirect_dma source(%dma_start3A_119 : memref<10000x128xf32, #tpu.memory_space<hbm>>) target(%arg18 : memref<128x128xf32, #tpu.memory_space<vmem>>) offsets(%arg12 : memref<128xi32, #tpu.memory_space<vmem>>) semaphore(%arg20 : memref<!tpu.dma_semaphore, #tpu.memory_space<semaphore_mem>>)
      %dma_wait3A_120 = arith.constant 0 : i32
      %dma_wait3A_121 = tpu.memref_slice %arg3[%add3A, %add3A_88, %dma_wait3A_120] : memref<32x78x128xi32, #tpu.memory_space<hbm>> -> memref<1x1x128xi32, #tpu.memory_space<hbm>>
      %dma_wait3A_122 = tpu.memref_squeeze %dma_wait3A_121 : memref<1x1x128xi32, #tpu.memory_space<hbm>> -> memref<128xi32, #tpu.memory_space<hbm>>
      %dma_wait3A_123 = arith.constant 0 : i32
      %dma_wait3A_124 = tpu.memref_slice %arg3[%add3A, %add3A_88, %dma_wait3A_123] : memref<32x78x128xi32, #tpu.memory_space<hbm>> -> memref<1x1x128xi32, #tpu.memory_space<hbm>>
      %dma_wait3A_125 = tpu.memref_squeeze %dma_wait3A_124 : memref<1x1x128xi32, #tpu.memory_space<hbm>> -> memref<128xi32, #tpu.memory_space<hbm>>
      tpu.wait_dma2 semaphore(%arg22 : memref<!tpu.dma_semaphore, #tpu.memory_space<semaphore_mem>>) src(%dma_wait3A_125 : memref<128xi32, #tpu.memory_space<hbm>>) dst(%arg13 : memref<128xi32, #tpu.memory_space<vmem>>)
      %dma_start3A_126 = arith.constant 0 : i32
      %dma_start3A_127 = arith.constant 0 : i32
      %dma_start3A_128 = tpu.memref_slice %arg2[%dma_start3A_126, %dma_start3A_127] : memref<10000x128xf32, #tpu.memory_space<hbm>> -> memref<10000x128xf32, #tpu.memory_space<hbm>>
      tpu.enqueue_indirect_dma source(%dma_start3A_128 : memref<10000x128xf32, #tpu.memory_space<hbm>>) target(%arg19 : memref<128x128xf32, #tpu.memory_space<vmem>>) offsets(%arg13 : memref<128xi32, #tpu.memory_space<vmem>>) semaphore(%arg20 : memref<!tpu.dma_semaphore, #tpu.memory_space<semaphore_mem>>)
      %dma_wait3A_129 = arith.constant 0 : i32
      %dma_wait3A_130 = tpu.memref_slice %arg4[%add3A, %add3A_64, %dma_wait3A_129] : memref<32x78x128xi32, #tpu.memory_space<hbm>> -> memref<1x1x128xi32, #tpu.memory_space<hbm>>
      %dma_wait3A_131 = tpu.memref_squeeze %dma_wait3A_130 : memref<1x1x128xi32, #tpu.memory_space<hbm>> -> memref<128xi32, #tpu.memory_space<hbm>>
      %dma_wait3A_132 = arith.constant 0 : i32
      %dma_wait3A_133 = tpu.memref_slice %arg4[%add3A, %add3A_64, %dma_wait3A_132] : memref<32x78x128xi32, #tpu.memory_space<hbm>> -> memref<1x1x128xi32, #tpu.memory_space<hbm>>
      %dma_wait3A_134 = tpu.memref_squeeze %dma_wait3A_133 : memref<1x1x128xi32, #tpu.memory_space<hbm>> -> memref<128xi32, #tpu.memory_space<hbm>>
      tpu.wait_dma2 semaphore(%arg22 : memref<!tpu.dma_semaphore, #tpu.memory_space<semaphore_mem>>) src(%dma_wait3A_134 : memref<128xi32, #tpu.memory_space<hbm>>) dst(%arg14 : memref<128xi32, #tpu.memory_space<vmem>>)
      %dma_wait3A_135 = arith.constant 0 : i32
      %dma_wait3A_136 = arith.constant 0 : i32
      %dma_wait3A_137 = tpu.memref_slice %arg2[%dma_wait3A_135, %dma_wait3A_136] : memref<10000x128xf32, #tpu.memory_space<hbm>> -> memref<10000x128xf32, #tpu.memory_space<hbm>>
      tpu.wait_indirect_dma semaphore(%arg20 : memref<!tpu.dma_semaphore, #tpu.memory_space<semaphore_mem>>) src(%dma_wait3A_137 : memref<10000x128xf32, #tpu.memory_space<hbm>>) dst(%arg17 : memref<128x128xf32, #tpu.memory_space<vmem>>)
      %dma_start3A_138 = arith.constant 0 : i32
      %dma_start3A_139 = arith.constant 0 : i32
      %dma_start3A_140 = tpu.memref_slice %arg23[%dma_start3A_138, %dma_start3A_139] : memref<10000x128xf32, #tpu.memory_space<vmem_shared>> -> memref<10000x128xf32, #tpu.memory_space<vmem_shared>>
      tpu.enqueue_indirect_dma source(%arg17 : memref<128x128xf32, #tpu.memory_space<vmem>>) target(%dma_start3A_140 : memref<10000x128xf32, #tpu.memory_space<vmem_shared>>) offsets(%arg14 : memref<128xi32, #tpu.memory_space<vmem>>) semaphore(%arg21 : memref<!tpu.dma_semaphore, #tpu.memory_space<semaphore_mem>>) {add = true}
      %dma_wait3A_141 = arith.constant 0 : i32
      %dma_wait3A_142 = tpu.memref_slice %arg4[%add3A, %add3A_80, %dma_wait3A_141] : memref<32x78x128xi32, #tpu.memory_space<hbm>> -> memref<1x1x128xi32, #tpu.memory_space<hbm>>
      %dma_wait3A_143 = tpu.memref_squeeze %dma_wait3A_142 : memref<1x1x128xi32, #tpu.memory_space<hbm>> -> memref<128xi32, #tpu.memory_space<hbm>>
      %dma_wait3A_144 = arith.constant 0 : i32
      %dma_wait3A_145 = tpu.memref_slice %arg4[%add3A, %add3A_80, %dma_wait3A_144] : memref<32x78x128xi32, #tpu.memory_space<hbm>> -> memref<1x1x128xi32, #tpu.memory_space<hbm>>
      %dma_wait3A_146 = tpu.memref_squeeze %dma_wait3A_145 : memref<1x1x128xi32, #tpu.memory_space<hbm>> -> memref<128xi32, #tpu.memory_space<hbm>>
      tpu.wait_dma2 semaphore(%arg22 : memref<!tpu.dma_semaphore, #tpu.memory_space<semaphore_mem>>) src(%dma_wait3A_146 : memref<128xi32, #tpu.memory_space<hbm>>) dst(%arg15 : memref<128xi32, #tpu.memory_space<vmem>>)
      %dma_wait3A_147 = arith.constant 0 : i32
      %dma_wait3A_148 = arith.constant 0 : i32
      %dma_wait3A_149 = tpu.memref_slice %arg2[%dma_wait3A_147, %dma_wait3A_148] : memref<10000x128xf32, #tpu.memory_space<hbm>> -> memref<10000x128xf32, #tpu.memory_space<hbm>>
      tpu.wait_indirect_dma semaphore(%arg20 : memref<!tpu.dma_semaphore, #tpu.memory_space<semaphore_mem>>) src(%dma_wait3A_149 : memref<10000x128xf32, #tpu.memory_space<hbm>>) dst(%arg18 : memref<128x128xf32, #tpu.memory_space<vmem>>)
      %dma_start3A_150 = arith.constant 0 : i32
      %dma_start3A_151 = arith.constant 0 : i32
      %dma_start3A_152 = tpu.memref_slice %arg23[%dma_start3A_150, %dma_start3A_151] : memref<10000x128xf32, #tpu.memory_space<vmem_shared>> -> memref<10000x128xf32, #tpu.memory_space<vmem_shared>>
      tpu.enqueue_indirect_dma source(%arg18 : memref<128x128xf32, #tpu.memory_space<vmem>>) target(%dma_start3A_152 : memref<10000x128xf32, #tpu.memory_space<vmem_shared>>) offsets(%arg15 : memref<128xi32, #tpu.memory_space<vmem>>) semaphore(%arg21 : memref<!tpu.dma_semaphore, #tpu.memory_space<semaphore_mem>>) {add = true}
      %dma_wait3A_153 = arith.constant 0 : i32
      %dma_wait3A_154 = tpu.memref_slice %arg4[%add3A, %add3A_96, %dma_wait3A_153] : memref<32x78x128xi32, #tpu.memory_space<hbm>> -> memref<1x1x128xi32, #tpu.memory_space<hbm>>
      %dma_wait3A_155 = tpu.memref_squeeze %dma_wait3A_154 : memref<1x1x128xi32, #tpu.memory_space<hbm>> -> memref<128xi32, #tpu.memory_space<hbm>>
      %dma_wait3A_156 = arith.constant 0 : i32
      %dma_wait3A_157 = tpu.memref_slice %arg4[%add3A, %add3A_96, %dma_wait3A_156] : memref<32x78x128xi32, #tpu.memory_space<hbm>> -> memref<1x1x128xi32, #tpu.memory_space<hbm>>
      %dma_wait3A_158 = tpu.memref_squeeze %dma_wait3A_157 : memref<1x1x128xi32, #tpu.memory_space<hbm>> -> memref<128xi32, #tpu.memory_space<hbm>>
      tpu.wait_dma2 semaphore(%arg22 : memref<!tpu.dma_semaphore, #tpu.memory_space<semaphore_mem>>) src(%dma_wait3A_158 : memref<128xi32, #tpu.memory_space<hbm>>) dst(%arg16 : memref<128xi32, #tpu.memory_space<vmem>>)
      %dma_wait3A_159 = arith.constant 0 : i32
      %dma_wait3A_160 = arith.constant 0 : i32
      %dma_wait3A_161 = tpu.memref_slice %arg2[%dma_wait3A_159, %dma_wait3A_160] : memref<10000x128xf32, #tpu.memory_space<hbm>> -> memref<10000x128xf32, #tpu.memory_space<hbm>>
      tpu.wait_indirect_dma semaphore(%arg20 : memref<!tpu.dma_semaphore, #tpu.memory_space<semaphore_mem>>) src(%dma_wait3A_161 : memref<10000x128xf32, #tpu.memory_space<hbm>>) dst(%arg19 : memref<128x128xf32, #tpu.memory_space<vmem>>)
      %dma_start3A_162 = arith.constant 0 : i32
      %dma_start3A_163 = arith.constant 0 : i32
      %dma_start3A_164 = tpu.memref_slice %arg23[%dma_start3A_162, %dma_start3A_163] : memref<10000x128xf32, #tpu.memory_space<vmem_shared>> -> memref<10000x128xf32, #tpu.memory_space<vmem_shared>>
      tpu.enqueue_indirect_dma source(%arg19 : memref<128x128xf32, #tpu.memory_space<vmem>>) target(%dma_start3A_164 : memref<10000x128xf32, #tpu.memory_space<vmem_shared>>) offsets(%arg16 : memref<128xi32, #tpu.memory_space<vmem>>) semaphore(%arg21 : memref<!tpu.dma_semaphore, #tpu.memory_space<semaphore_mem>>) {add = true}
      %dma_wait3A_165 = arith.constant 0 : i32
      %dma_wait3A_166 = arith.constant 0 : i32
      %dma_wait3A_167 = tpu.memref_slice %arg23[%dma_wait3A_165, %dma_wait3A_166] : memref<10000x128xf32, #tpu.memory_space<vmem_shared>> -> memref<10000x128xf32, #tpu.memory_space<vmem_shared>>
      tpu.wait_indirect_dma semaphore(%arg21 : memref<!tpu.dma_semaphore, #tpu.memory_space<semaphore_mem>>) src(%arg17 : memref<128x128xf32, #tpu.memory_space<vmem>>) dst(%dma_wait3A_167 : memref<10000x128xf32, #tpu.memory_space<vmem_shared>>)
      %dma_wait3A_168 = arith.constant 0 : i32
      %dma_wait3A_169 = arith.constant 0 : i32
      %dma_wait3A_170 = tpu.memref_slice %arg23[%dma_wait3A_168, %dma_wait3A_169] : memref<10000x128xf32, #tpu.memory_space<vmem_shared>> -> memref<10000x128xf32, #tpu.memory_space<vmem_shared>>
      tpu.wait_indirect_dma semaphore(%arg21 : memref<!tpu.dma_semaphore, #tpu.memory_space<semaphore_mem>>) src(%arg18 : memref<128x128xf32, #tpu.memory_space<vmem>>) dst(%dma_wait3A_170 : memref<10000x128xf32, #tpu.memory_space<vmem_shared>>)
      %dma_wait3A_171 = arith.constant 0 : i32
      %dma_wait3A_172 = arith.constant 0 : i32
      %dma_wait3A_173 = tpu.memref_slice %arg23[%dma_wait3A_171, %dma_wait3A_172] : memref<10000x128xf32, #tpu.memory_space<vmem_shared>> -> memref<10000x128xf32, #tpu.memory_space<vmem_shared>>
      tpu.wait_indirect_dma semaphore(%arg21 : memref<!tpu.dma_semaphore, #tpu.memory_space<semaphore_mem>>) src(%arg19 : memref<128x128xf32, #tpu.memory_space<vmem>>) dst(%dma_wait3A_173 : memref<10000x128xf32, #tpu.memory_space<vmem_shared>>)
    }
    %scan3A_8 = arith.constant 26 : i32
    %lt3A_9 = arith.constant 4 : i32
    %lt3A_10 = arith.cmpi slt, %add3A, %lt3A_9 : i32
    %convert_element_type3A_11 = arith.extui %lt3A_10 : i1 to i32
    %cond3A_12 = arith.constant 0 : i32
    %cond3A_13 = arith.cmpi ne, %convert_element_type3A_11, %cond3A_12 : i32
    scf.if %cond3A_13 {
      "tpu.region"() ({
        %run_scoped3A = tpu.sem_alloc : memref<!tpu.dma_semaphore, #tpu.memory_space<semaphore_mem>>
        %dma_start3A_53 = arith.constant 0 : i32
        %dma_start3A_54 = tpu.memref_slice %arg5[%add3A, %dma_start3A_53] : memref<4x128xi32, #tpu.memory_space<hbm>> -> memref<1x128xi32, #tpu.memory_space<hbm>>
        %dma_start3A_55 = tpu.memref_squeeze %dma_start3A_54 : memref<1x128xi32, #tpu.memory_space<hbm>> -> memref<128xi32, #tpu.memory_space<hbm>>
        %dma_start3A_56 = arith.constant 0 : i32
        %dma_start3A_57 = tpu.memref_slice %arg5[%add3A, %dma_start3A_56] : memref<4x128xi32, #tpu.memory_space<hbm>> -> memref<1x128xi32, #tpu.memory_space<hbm>>
        %dma_start3A_58 = tpu.memref_squeeze %dma_start3A_57 : memref<1x128xi32, #tpu.memory_space<hbm>> -> memref<128xi32, #tpu.memory_space<hbm>>
        tpu.enqueue_dma source(%dma_start3A_58 : memref<128xi32, #tpu.memory_space<hbm>>) target(%arg14 : memref<128xi32, #tpu.memory_space<vmem>>) target_semaphore(%run_scoped3A : memref<!tpu.dma_semaphore, #tpu.memory_space<semaphore_mem>>)
        %dma_wait3A_59 = arith.constant 0 : i32
        %dma_wait3A_60 = tpu.memref_slice %arg5[%add3A, %dma_wait3A_59] : memref<4x128xi32, #tpu.memory_space<hbm>> -> memref<1x128xi32, #tpu.memory_space<hbm>>
        %dma_wait3A_61 = tpu.memref_squeeze %dma_wait3A_60 : memref<1x128xi32, #tpu.memory_space<hbm>> -> memref<128xi32, #tpu.memory_space<hbm>>
        %dma_wait3A_62 = arith.constant 0 : i32
        %dma_wait3A_63 = tpu.memref_slice %arg5[%add3A, %dma_wait3A_62] : memref<4x128xi32, #tpu.memory_space<hbm>> -> memref<1x128xi32, #tpu.memory_space<hbm>>
        %dma_wait3A_64 = tpu.memref_squeeze %dma_wait3A_63 : memref<1x128xi32, #tpu.memory_space<hbm>> -> memref<128xi32, #tpu.memory_space<hbm>>
        tpu.wait_dma2 semaphore(%run_scoped3A : memref<!tpu.dma_semaphore, #tpu.memory_space<semaphore_mem>>) src(%dma_wait3A_64 : memref<128xi32, #tpu.memory_space<hbm>>) dst(%arg14 : memref<128xi32, #tpu.memory_space<vmem>>)
        tpu.yield
      }) : () -> ()
      "tpu.region"() ({
        %run_scoped3A = tpu.sem_alloc : memref<!tpu.dma_semaphore, #tpu.memory_space<semaphore_mem>>
        %dma_start3A_53 = arith.constant 0 : i32
        %dma_start3A_54 = tpu.memref_slice %arg6[%add3A, %dma_start3A_53] : memref<4x128xi32, #tpu.memory_space<hbm>> -> memref<1x128xi32, #tpu.memory_space<hbm>>
        %dma_start3A_55 = tpu.memref_squeeze %dma_start3A_54 : memref<1x128xi32, #tpu.memory_space<hbm>> -> memref<128xi32, #tpu.memory_space<hbm>>
        %dma_start3A_56 = arith.constant 0 : i32
        %dma_start3A_57 = tpu.memref_slice %arg6[%add3A, %dma_start3A_56] : memref<4x128xi32, #tpu.memory_space<hbm>> -> memref<1x128xi32, #tpu.memory_space<hbm>>
        %dma_start3A_58 = tpu.memref_squeeze %dma_start3A_57 : memref<1x128xi32, #tpu.memory_space<hbm>> -> memref<128xi32, #tpu.memory_space<hbm>>
        tpu.enqueue_dma source(%dma_start3A_58 : memref<128xi32, #tpu.memory_space<hbm>>) target(%arg15 : memref<128xi32, #tpu.memory_space<vmem>>) target_semaphore(%run_scoped3A : memref<!tpu.dma_semaphore, #tpu.memory_space<semaphore_mem>>)
        %dma_wait3A_59 = arith.constant 0 : i32
        %dma_wait3A_60 = tpu.memref_slice %arg6[%add3A, %dma_wait3A_59] : memref<4x128xi32, #tpu.memory_space<hbm>> -> memref<1x128xi32, #tpu.memory_space<hbm>>
        %dma_wait3A_61 = tpu.memref_squeeze %dma_wait3A_60 : memref<1x128xi32, #tpu.memory_space<hbm>> -> memref<128xi32, #tpu.memory_space<hbm>>
        %dma_wait3A_62 = arith.constant 0 : i32
        %dma_wait3A_63 = tpu.memref_slice %arg6[%add3A, %dma_wait3A_62] : memref<4x128xi32, #tpu.memory_space<hbm>> -> memref<1x128xi32, #tpu.memory_space<hbm>>
        %dma_wait3A_64 = tpu.memref_squeeze %dma_wait3A_63 : memref<1x128xi32, #tpu.memory_space<hbm>> -> memref<128xi32, #tpu.memory_space<hbm>>
        tpu.wait_dma2 semaphore(%run_scoped3A : memref<!tpu.dma_semaphore, #tpu.memory_space<semaphore_mem>>) src(%dma_wait3A_64 : memref<128xi32, #tpu.memory_space<hbm>>) dst(%arg15 : memref<128xi32, #tpu.memory_space<vmem>>)
        tpu.yield
      }) : () -> ()
      %dma_start3A = arith.constant 0 : i32
      %dma_start3A_49 = arith.constant 0 : i32
      %dma_start3A_50 = tpu.memref_slice %arg2[%dma_start3A, %dma_start3A_49] : memref<10000x128xf32, #tpu.memory_space<hbm>> -> memref<10000x128xf32, #tpu.memory_space<hbm>>
      tpu.enqueue_indirect_dma source(%dma_start3A_50 : memref<10000x128xf32, #tpu.memory_space<hbm>>) target(%arg17 : memref<128x128xf32, #tpu.memory_space<vmem>>) offsets(%arg14 : memref<128xi32, #tpu.memory_space<vmem>>) semaphore(%arg20 : memref<!tpu.dma_semaphore, #tpu.memory_space<semaphore_mem>>)
      %dma_wait3A = arith.constant 0 : i32
      %dma_wait3A_51 = arith.constant 0 : i32
      %dma_wait3A_52 = tpu.memref_slice %arg2[%dma_wait3A, %dma_wait3A_51] : memref<10000x128xf32, #tpu.memory_space<hbm>> -> memref<10000x128xf32, #tpu.memory_space<hbm>>
      tpu.wait_indirect_dma semaphore(%arg20 : memref<!tpu.dma_semaphore, #tpu.memory_space<semaphore_mem>>) src(%dma_wait3A_52 : memref<10000x128xf32, #tpu.memory_space<hbm>>) dst(%arg17 : memref<128x128xf32, #tpu.memory_space<vmem>>)
      "tpu.region"() ({
        %run_scoped3A = tpu.sem_alloc : memref<!tpu.dma_semaphore, #tpu.memory_space<semaphore_mem>>
        %dma_start3A_53 = arith.constant 0 : i32
        %dma_start3A_54 = arith.constant 0 : i32
        %dma_start3A_55 = tpu.memref_slice %arg23[%dma_start3A_53, %dma_start3A_54] : memref<10000x128xf32, #tpu.memory_space<vmem_shared>> -> memref<10000x128xf32, #tpu.memory_space<vmem_shared>>
        tpu.enqueue_indirect_dma source(%arg17 : memref<128x128xf32, #tpu.memory_space<vmem>>) target(%dma_start3A_55 : memref<10000x128xf32, #tpu.memory_space<vmem_shared>>) offsets(%arg15 : memref<128xi32, #tpu.memory_space<vmem>>) semaphore(%run_scoped3A : memref<!tpu.dma_semaphore, #tpu.memory_space<semaphore_mem>>) {add = true}
        %dma_wait3A_56 = arith.constant 0 : i32
        %dma_wait3A_57 = arith.constant 0 : i32
        %dma_wait3A_58 = tpu.memref_slice %arg23[%dma_wait3A_56, %dma_wait3A_57] : memref<10000x128xf32, #tpu.memory_space<vmem_shared>> -> memref<10000x128xf32, #tpu.memory_space<vmem_shared>>
        tpu.wait_indirect_dma semaphore(%run_scoped3A : memref<!tpu.dma_semaphore, #tpu.memory_space<semaphore_mem>>) src(%arg17 : memref<128x128xf32, #tpu.memory_space<vmem>>) dst(%dma_wait3A_58 : memref<10000x128xf32, #tpu.memory_space<vmem_shared>>)
        tpu.yield
      }) : () -> ()
    } else {
    }
    %barrier3A_14 = arith.constant 0 : index
    tpu.barrier barrier_id(%barrier3A_14)
    %add3A_15 = arith.constant 0 : i32
    %add3A_16 = arith.addi %arg1, %add3A_15 : i32
    %lt3A_17 = arith.constant 5 : i32
    %lt3A_18 = arith.cmpi slt, %add3A_16, %lt3A_17 : i32
    %convert_element_type3A_19 = arith.extui %lt3A_18 : i1 to i32
    %cond3A_20 = arith.constant 0 : i32
    %cond3A_21 = arith.cmpi ne, %convert_element_type3A_19, %cond3A_20 : i32
    scf.if %cond3A_21 {
      %mul3A_49 = arith.constant 2000 : i32
      %mul3A_50 = arith.muli %add3A_16, %mul3A_49 : i32
      %multiple_of3A = tpu.assume_multiple %mul3A_50, 8 : i32
      "tpu.region"() ({
        %run_scoped3A = tpu.sem_alloc : memref<!tpu.dma_semaphore, #tpu.memory_space<semaphore_mem>>
        %dma_start3A = arith.constant 0 : i32
        %dma_start3A_51 = tpu.memref_slice %arg9[%arg0, %multiple_of3A, %dma_start3A] : memref<2x10000x128xf32, #tpu.memory_space<hbm>> -> memref<1x2000x128xf32, #tpu.memory_space<hbm>>
        %dma_start3A_52 = tpu.memref_squeeze %dma_start3A_51 : memref<1x2000x128xf32, #tpu.memory_space<hbm>> -> memref<2000x128xf32, #tpu.memory_space<hbm>>
        %dma_start3A_53 = arith.constant 0 : i32
        %dma_start3A_54 = tpu.memref_slice %arg23[%multiple_of3A, %dma_start3A_53] : memref<10000x128xf32, #tpu.memory_space<vmem_shared>> -> memref<2000x128xf32, #tpu.memory_space<vmem_shared>>
        tpu.enqueue_dma source(%dma_start3A_54 : memref<2000x128xf32, #tpu.memory_space<vmem_shared>>) target(%dma_start3A_52 : memref<2000x128xf32, #tpu.memory_space<hbm>>) target_semaphore(%run_scoped3A : memref<!tpu.dma_semaphore, #tpu.memory_space<semaphore_mem>>)
        %dma_wait3A = arith.constant 0 : i32
        %dma_wait3A_55 = tpu.memref_slice %arg9[%arg0, %multiple_of3A, %dma_wait3A] : memref<2x10000x128xf32, #tpu.memory_space<hbm>> -> memref<1x2000x128xf32, #tpu.memory_space<hbm>>
        %dma_wait3A_56 = tpu.memref_squeeze %dma_wait3A_55 : memref<1x2000x128xf32, #tpu.memory_space<hbm>> -> memref<2000x128xf32, #tpu.memory_space<hbm>>
        %dma_wait3A_57 = arith.constant 0 : i32
        %dma_wait3A_58 = tpu.memref_slice %arg23[%multiple_of3A, %dma_wait3A_57] : memref<10000x128xf32, #tpu.memory_space<vmem_shared>> -> memref<2000x128xf32, #tpu.memory_space<vmem_shared>>
        tpu.wait_dma2 semaphore(%run_scoped3A : memref<!tpu.dma_semaphore, #tpu.memory_space<semaphore_mem>>) src(%dma_wait3A_58 : memref<2000x128xf32, #tpu.memory_space<vmem_shared>>) dst(%dma_wait3A_56 : memref<2000x128xf32, #tpu.memory_space<hbm>>)
        tpu.yield
      }) : () -> ()
    } else {
    }
    %barrier3A_22 = arith.constant 0 : index
    tpu.barrier barrier_id(%barrier3A_22)
    "tpu.region"() ({
      %run_scoped3A = tpu.sem_alloc : memref<!tpu.dma_semaphore, #tpu.memory_space<semaphore_mem>>
      tpu.enqueue_dma source(%arg8 : memref<128x128xf32, #tpu.memory_space<hbm>>) target(%arg17 : memref<128x128xf32, #tpu.memory_space<vmem>>) target_semaphore(%run_scoped3A : memref<!tpu.dma_semaphore, #tpu.memory_space<semaphore_mem>>)
      tpu.wait_dma2 semaphore(%run_scoped3A : memref<!tpu.dma_semaphore, #tpu.memory_space<semaphore_mem>>) src(%arg8 : memref<128x128xf32, #tpu.memory_space<hbm>>) dst(%arg17 : memref<128x128xf32, #tpu.memory_space<vmem>>)
      tpu.yield
    }) : () -> ()
    %add3A_23 = arith.constant 0 : i32
    %add3A_24 = arith.addi %arg1, %add3A_23 : i32
    %lt3A_25 = arith.constant 5 : i32
    %lt3A_26 = arith.cmpi slt, %add3A_24, %lt3A_25 : i32
    %convert_element_type3A_27 = arith.extui %lt3A_26 : i1 to i32
    %cond3A_28 = arith.constant 0 : i32
    %cond3A_29 = arith.cmpi ne, %convert_element_type3A_27, %cond3A_28 : i32
    scf.if %cond3A_29 {
      %mul3A_49 = arith.constant 2000 : i32
      %mul3A_50 = arith.muli %add3A_24, %mul3A_49 : i32
      %multiple_of3A = tpu.assume_multiple %mul3A_50, 8 : i32
      "tpu.region"() ({
        %run_scoped3A = tpu.sem_alloc : memref<!tpu.dma_semaphore, #tpu.memory_space<semaphore_mem>>
        %dma_start3A = arith.constant 0 : i32
        %dma_start3A_51 = tpu.memref_slice %arg23[%multiple_of3A, %dma_start3A] : memref<10000x128xf32, #tpu.memory_space<vmem_shared>> -> memref<2000x128xf32, #tpu.memory_space<vmem_shared>>
        tpu.enqueue_dma source(%arg7 : memref<2000x128xf32, #tpu.memory_space<hbm>>) target(%dma_start3A_51 : memref<2000x128xf32, #tpu.memory_space<vmem_shared>>) target_semaphore(%run_scoped3A : memref<!tpu.dma_semaphore, #tpu.memory_space<semaphore_mem>>)
        %dma_wait3A = arith.constant 0 : i32
        %dma_wait3A_52 = tpu.memref_slice %arg23[%multiple_of3A, %dma_wait3A] : memref<10000x128xf32, #tpu.memory_space<vmem_shared>> -> memref<2000x128xf32, #tpu.memory_space<vmem_shared>>
        tpu.wait_dma2 semaphore(%run_scoped3A : memref<!tpu.dma_semaphore, #tpu.memory_space<semaphore_mem>>) src(%arg7 : memref<2000x128xf32, #tpu.memory_space<hbm>>) dst(%dma_wait3A_52 : memref<2000x128xf32, #tpu.memory_space<vmem_shared>>)
        tpu.yield
      }) : () -> ()
    } else {
    }
    %barrier3A_30 = arith.constant 0 : index
    tpu.barrier barrier_id(%barrier3A_30)
    %scan3A_31 = arith.constant 0 : i32
    %scan3A_32 = arith.constant 26 : i32
    %scan3A_33 = arith.addi %scan3A_31, %scan3A_32 : i32
    %scan3A_34 = arith.constant 1 : i32
    scf.for %scan3A_49 = %scan3A_31 to %scan3A_33 step %scan3A_34  : i32 {
      %mul3A_50 = arith.constant 1 : i32
      %mul3A_51 = arith.muli %scan3A_49, %mul3A_50 : i32
      %add3A_52 = arith.constant 0 : i32
      %add3A_53 = arith.addi %add3A_52, %mul3A_51 : i32
      %mul3A_54 = arith.constant 3 : i32
      %mul3A_55 = arith.muli %add3A_53, %mul3A_54 : i32
      %add3A_56 = arith.constant 0 : i32
      %add3A_57 = arith.addi %mul3A_55, %add3A_56 : i32
      %dma_start3A = arith.constant 0 : i32
      %dma_start3A_58 = tpu.memref_slice %arg4[%add3A, %add3A_57, %dma_start3A] : memref<32x78x128xi32, #tpu.memory_space<hbm>> -> memref<1x1x128xi32, #tpu.memory_space<hbm>>
      %dma_start3A_59 = tpu.memref_squeeze %dma_start3A_58 : memref<1x1x128xi32, #tpu.memory_space<hbm>> -> memref<128xi32, #tpu.memory_space<hbm>>
      %dma_start3A_60 = arith.constant 0 : i32
      %dma_start3A_61 = tpu.memref_slice %arg4[%add3A, %add3A_57, %dma_start3A_60] : memref<32x78x128xi32, #tpu.memory_space<hbm>> -> memref<1x1x128xi32, #tpu.memory_space<hbm>>
      %dma_start3A_62 = tpu.memref_squeeze %dma_start3A_61 : memref<1x1x128xi32, #tpu.memory_space<hbm>> -> memref<128xi32, #tpu.memory_space<hbm>>
      tpu.enqueue_dma source(%dma_start3A_62 : memref<128xi32, #tpu.memory_space<hbm>>) target(%arg14 : memref<128xi32, #tpu.memory_space<vmem>>) target_semaphore(%arg22 : memref<!tpu.dma_semaphore, #tpu.memory_space<semaphore_mem>>)
      %add3A_63 = arith.constant 1 : i32
      %add3A_64 = arith.addi %mul3A_55, %add3A_63 : i32
      %dma_start3A_65 = arith.constant 0 : i32
      %dma_start3A_66 = tpu.memref_slice %arg4[%add3A, %add3A_64, %dma_start3A_65] : memref<32x78x128xi32, #tpu.memory_space<hbm>> -> memref<1x1x128xi32, #tpu.memory_space<hbm>>
      %dma_start3A_67 = tpu.memref_squeeze %dma_start3A_66 : memref<1x1x128xi32, #tpu.memory_space<hbm>> -> memref<128xi32, #tpu.memory_space<hbm>>
      %dma_start3A_68 = arith.constant 0 : i32
      %dma_start3A_69 = tpu.memref_slice %arg4[%add3A, %add3A_64, %dma_start3A_68] : memref<32x78x128xi32, #tpu.memory_space<hbm>> -> memref<1x1x128xi32, #tpu.memory_space<hbm>>
      %dma_start3A_70 = tpu.memref_squeeze %dma_start3A_69 : memref<1x1x128xi32, #tpu.memory_space<hbm>> -> memref<128xi32, #tpu.memory_space<hbm>>
      tpu.enqueue_dma source(%dma_start3A_70 : memref<128xi32, #tpu.memory_space<hbm>>) target(%arg15 : memref<128xi32, #tpu.memory_space<vmem>>) target_semaphore(%arg22 : memref<!tpu.dma_semaphore, #tpu.memory_space<semaphore_mem>>)
      %add3A_71 = arith.constant 2 : i32
      %add3A_72 = arith.addi %mul3A_55, %add3A_71 : i32
      %dma_start3A_73 = arith.constant 0 : i32
      %dma_start3A_74 = tpu.memref_slice %arg4[%add3A, %add3A_72, %dma_start3A_73] : memref<32x78x128xi32, #tpu.memory_space<hbm>> -> memref<1x1x128xi32, #tpu.memory_space<hbm>>
      %dma_start3A_75 = tpu.memref_squeeze %dma_start3A_74 : memref<1x1x128xi32, #tpu.memory_space<hbm>> -> memref<128xi32, #tpu.memory_space<hbm>>
      %dma_start3A_76 = arith.constant 0 : i32
      %dma_start3A_77 = tpu.memref_slice %arg4[%add3A, %add3A_72, %dma_start3A_76] : memref<32x78x128xi32, #tpu.memory_space<hbm>> -> memref<1x1x128xi32, #tpu.memory_space<hbm>>
      %dma_start3A_78 = tpu.memref_squeeze %dma_start3A_77 : memref<1x1x128xi32, #tpu.memory_space<hbm>> -> memref<128xi32, #tpu.memory_space<hbm>>
      tpu.enqueue_dma source(%dma_start3A_78 : memref<128xi32, #tpu.memory_space<hbm>>) target(%arg16 : memref<128xi32, #tpu.memory_space<vmem>>) target_semaphore(%arg22 : memref<!tpu.dma_semaphore, #tpu.memory_space<semaphore_mem>>)
      %dma_wait3A = arith.constant 0 : i32
      %dma_wait3A_79 = tpu.memref_slice %arg4[%add3A, %add3A_57, %dma_wait3A] : memref<32x78x128xi32, #tpu.memory_space<hbm>> -> memref<1x1x128xi32, #tpu.memory_space<hbm>>
      %dma_wait3A_80 = tpu.memref_squeeze %dma_wait3A_79 : memref<1x1x128xi32, #tpu.memory_space<hbm>> -> memref<128xi32, #tpu.memory_space<hbm>>
      %dma_wait3A_81 = arith.constant 0 : i32
      %dma_wait3A_82 = tpu.memref_slice %arg4[%add3A, %add3A_57, %dma_wait3A_81] : memref<32x78x128xi32, #tpu.memory_space<hbm>> -> memref<1x1x128xi32, #tpu.memory_space<hbm>>
      %dma_wait3A_83 = tpu.memref_squeeze %dma_wait3A_82 : memref<1x1x128xi32, #tpu.memory_space<hbm>> -> memref<128xi32, #tpu.memory_space<hbm>>
      tpu.wait_dma2 semaphore(%arg22 : memref<!tpu.dma_semaphore, #tpu.memory_space<semaphore_mem>>) src(%dma_wait3A_83 : memref<128xi32, #tpu.memory_space<hbm>>) dst(%arg14 : memref<128xi32, #tpu.memory_space<vmem>>)
      %dma_start3A_84 = arith.constant 0 : i32
      %dma_start3A_85 = arith.constant 0 : i32
      %dma_start3A_86 = tpu.memref_slice %arg23[%dma_start3A_84, %dma_start3A_85] : memref<10000x128xf32, #tpu.memory_space<vmem_shared>> -> memref<10000x128xf32, #tpu.memory_space<vmem_shared>>
      tpu.enqueue_indirect_dma source(%arg17 : memref<128x128xf32, #tpu.memory_space<vmem>>) target(%dma_start3A_86 : memref<10000x128xf32, #tpu.memory_space<vmem_shared>>) offsets(%arg14 : memref<128xi32, #tpu.memory_space<vmem>>) semaphore(%arg21 : memref<!tpu.dma_semaphore, #tpu.memory_space<semaphore_mem>>) {add = true}
      %dma_wait3A_87 = arith.constant 0 : i32
      %dma_wait3A_88 = tpu.memref_slice %arg4[%add3A, %add3A_64, %dma_wait3A_87] : memref<32x78x128xi32, #tpu.memory_space<hbm>> -> memref<1x1x128xi32, #tpu.memory_space<hbm>>
      %dma_wait3A_89 = tpu.memref_squeeze %dma_wait3A_88 : memref<1x1x128xi32, #tpu.memory_space<hbm>> -> memref<128xi32, #tpu.memory_space<hbm>>
      %dma_wait3A_90 = arith.constant 0 : i32
      %dma_wait3A_91 = tpu.memref_slice %arg4[%add3A, %add3A_64, %dma_wait3A_90] : memref<32x78x128xi32, #tpu.memory_space<hbm>> -> memref<1x1x128xi32, #tpu.memory_space<hbm>>
      %dma_wait3A_92 = tpu.memref_squeeze %dma_wait3A_91 : memref<1x1x128xi32, #tpu.memory_space<hbm>> -> memref<128xi32, #tpu.memory_space<hbm>>
      tpu.wait_dma2 semaphore(%arg22 : memref<!tpu.dma_semaphore, #tpu.memory_space<semaphore_mem>>) src(%dma_wait3A_92 : memref<128xi32, #tpu.memory_space<hbm>>) dst(%arg15 : memref<128xi32, #tpu.memory_space<vmem>>)
      %dma_start3A_93 = arith.constant 0 : i32
      %dma_start3A_94 = arith.constant 0 : i32
      %dma_start3A_95 = tpu.memref_slice %arg23[%dma_start3A_93, %dma_start3A_94] : memref<10000x128xf32, #tpu.memory_space<vmem_shared>> -> memref<10000x128xf32, #tpu.memory_space<vmem_shared>>
      tpu.enqueue_indirect_dma source(%arg17 : memref<128x128xf32, #tpu.memory_space<vmem>>) target(%dma_start3A_95 : memref<10000x128xf32, #tpu.memory_space<vmem_shared>>) offsets(%arg15 : memref<128xi32, #tpu.memory_space<vmem>>) semaphore(%arg21 : memref<!tpu.dma_semaphore, #tpu.memory_space<semaphore_mem>>) {add = true}
      %dma_wait3A_96 = arith.constant 0 : i32
      %dma_wait3A_97 = tpu.memref_slice %arg4[%add3A, %add3A_72, %dma_wait3A_96] : memref<32x78x128xi32, #tpu.memory_space<hbm>> -> memref<1x1x128xi32, #tpu.memory_space<hbm>>
      %dma_wait3A_98 = tpu.memref_squeeze %dma_wait3A_97 : memref<1x1x128xi32, #tpu.memory_space<hbm>> -> memref<128xi32, #tpu.memory_space<hbm>>
      %dma_wait3A_99 = arith.constant 0 : i32
      %dma_wait3A_100 = tpu.memref_slice %arg4[%add3A, %add3A_72, %dma_wait3A_99] : memref<32x78x128xi32, #tpu.memory_space<hbm>> -> memref<1x1x128xi32, #tpu.memory_space<hbm>>
      %dma_wait3A_101 = tpu.memref_squeeze %dma_wait3A_100 : memref<1x1x128xi32, #tpu.memory_space<hbm>> -> memref<128xi32, #tpu.memory_space<hbm>>
      tpu.wait_dma2 semaphore(%arg22 : memref<!tpu.dma_semaphore, #tpu.memory_space<semaphore_mem>>) src(%dma_wait3A_101 : memref<128xi32, #tpu.memory_space<hbm>>) dst(%arg16 : memref<128xi32, #tpu.memory_space<vmem>>)
      %dma_start3A_102 = arith.constant 0 : i32
      %dma_start3A_103 = arith.constant 0 : i32
      %dma_start3A_104 = tpu.memref_slice %arg23[%dma_start3A_102, %dma_start3A_103] : memref<10000x128xf32, #tpu.memory_space<vmem_shared>> -> memref<10000x128xf32, #tpu.memory_space<vmem_shared>>
      tpu.enqueue_indirect_dma source(%arg17 : memref<128x128xf32, #tpu.memory_space<vmem>>) target(%dma_start3A_104 : memref<10000x128xf32, #tpu.memory_space<vmem_shared>>) offsets(%arg16 : memref<128xi32, #tpu.memory_space<vmem>>) semaphore(%arg21 : memref<!tpu.dma_semaphore, #tpu.memory_space<semaphore_mem>>) {add = true}
      %dma_wait3A_105 = arith.constant 0 : i32
      %dma_wait3A_106 = arith.constant 0 : i32
      %dma_wait3A_107 = tpu.memref_slice %arg23[%dma_wait3A_105, %dma_wait3A_106] : memref<10000x128xf32, #tpu.memory_space<vmem_shared>> -> memref<10000x128xf32, #tpu.memory_space<vmem_shared>>
      tpu.wait_indirect_dma semaphore(%arg21 : memref<!tpu.dma_semaphore, #tpu.memory_space<semaphore_mem>>) src(%arg17 : memref<128x128xf32, #tpu.memory_space<vmem>>) dst(%dma_wait3A_107 : memref<10000x128xf32, #tpu.memory_space<vmem_shared>>)
      %dma_wait3A_108 = arith.constant 0 : i32
      %dma_wait3A_109 = arith.constant 0 : i32
      %dma_wait3A_110 = tpu.memref_slice %arg23[%dma_wait3A_108, %dma_wait3A_109] : memref<10000x128xf32, #tpu.memory_space<vmem_shared>> -> memref<10000x128xf32, #tpu.memory_space<vmem_shared>>
      tpu.wait_indirect_dma semaphore(%arg21 : memref<!tpu.dma_semaphore, #tpu.memory_space<semaphore_mem>>) src(%arg17 : memref<128x128xf32, #tpu.memory_space<vmem>>) dst(%dma_wait3A_110 : memref<10000x128xf32, #tpu.memory_space<vmem_shared>>)
      %dma_wait3A_111 = arith.constant 0 : i32
      %dma_wait3A_112 = arith.constant 0 : i32
      %dma_wait3A_113 = tpu.memref_slice %arg23[%dma_wait3A_111, %dma_wait3A_112] : memref<10000x128xf32, #tpu.memory_space<vmem_shared>> -> memref<10000x128xf32, #tpu.memory_space<vmem_shared>>
      tpu.wait_indirect_dma semaphore(%arg21 : memref<!tpu.dma_semaphore, #tpu.memory_space<semaphore_mem>>) src(%arg17 : memref<128x128xf32, #tpu.memory_space<vmem>>) dst(%dma_wait3A_113 : memref<10000x128xf32, #tpu.memory_space<vmem_shared>>)
    }
    %scan3A_35 = arith.constant 26 : i32
    %lt3A_36 = arith.constant 4 : i32
    %lt3A_37 = arith.cmpi slt, %add3A, %lt3A_36 : i32
    %convert_element_type3A_38 = arith.extui %lt3A_37 : i1 to i32
    %cond3A_39 = arith.constant 0 : i32
    %cond3A_40 = arith.cmpi ne, %convert_element_type3A_38, %cond3A_39 : i32
    scf.if %cond3A_40 {
      "tpu.region"() ({
        %run_scoped3A = tpu.sem_alloc : memref<!tpu.dma_semaphore, #tpu.memory_space<semaphore_mem>>
        %dma_start3A = arith.constant 0 : i32
        %dma_start3A_49 = tpu.memref_slice %arg6[%add3A, %dma_start3A] : memref<4x128xi32, #tpu.memory_space<hbm>> -> memref<1x128xi32, #tpu.memory_space<hbm>>
        %dma_start3A_50 = tpu.memref_squeeze %dma_start3A_49 : memref<1x128xi32, #tpu.memory_space<hbm>> -> memref<128xi32, #tpu.memory_space<hbm>>
        %dma_start3A_51 = arith.constant 0 : i32
        %dma_start3A_52 = tpu.memref_slice %arg6[%add3A, %dma_start3A_51] : memref<4x128xi32, #tpu.memory_space<hbm>> -> memref<1x128xi32, #tpu.memory_space<hbm>>
        %dma_start3A_53 = tpu.memref_squeeze %dma_start3A_52 : memref<1x128xi32, #tpu.memory_space<hbm>> -> memref<128xi32, #tpu.memory_space<hbm>>
        tpu.enqueue_dma source(%dma_start3A_53 : memref<128xi32, #tpu.memory_space<hbm>>) target(%arg15 : memref<128xi32, #tpu.memory_space<vmem>>) target_semaphore(%run_scoped3A : memref<!tpu.dma_semaphore, #tpu.memory_space<semaphore_mem>>)
        %dma_wait3A = arith.constant 0 : i32
        %dma_wait3A_54 = tpu.memref_slice %arg6[%add3A, %dma_wait3A] : memref<4x128xi32, #tpu.memory_space<hbm>> -> memref<1x128xi32, #tpu.memory_space<hbm>>
        %dma_wait3A_55 = tpu.memref_squeeze %dma_wait3A_54 : memref<1x128xi32, #tpu.memory_space<hbm>> -> memref<128xi32, #tpu.memory_space<hbm>>
        %dma_wait3A_56 = arith.constant 0 : i32
        %dma_wait3A_57 = tpu.memref_slice %arg6[%add3A, %dma_wait3A_56] : memref<4x128xi32, #tpu.memory_space<hbm>> -> memref<1x128xi32, #tpu.memory_space<hbm>>
        %dma_wait3A_58 = tpu.memref_squeeze %dma_wait3A_57 : memref<1x128xi32, #tpu.memory_space<hbm>> -> memref<128xi32, #tpu.memory_space<hbm>>
        tpu.wait_dma2 semaphore(%run_scoped3A : memref<!tpu.dma_semaphore, #tpu.memory_space<semaphore_mem>>) src(%dma_wait3A_58 : memref<128xi32, #tpu.memory_space<hbm>>) dst(%arg15 : memref<128xi32, #tpu.memory_space<vmem>>)
        tpu.yield
      }) : () -> ()
      "tpu.region"() ({
        %run_scoped3A = tpu.sem_alloc : memref<!tpu.dma_semaphore, #tpu.memory_space<semaphore_mem>>
        %dma_start3A = arith.constant 0 : i32
        %dma_start3A_49 = arith.constant 0 : i32
        %dma_start3A_50 = tpu.memref_slice %arg23[%dma_start3A, %dma_start3A_49] : memref<10000x128xf32, #tpu.memory_space<vmem_shared>> -> memref<10000x128xf32, #tpu.memory_space<vmem_shared>>
        tpu.enqueue_indirect_dma source(%arg17 : memref<128x128xf32, #tpu.memory_space<vmem>>) target(%dma_start3A_50 : memref<10000x128xf32, #tpu.memory_space<vmem_shared>>) offsets(%arg15 : memref<128xi32, #tpu.memory_space<vmem>>) semaphore(%run_scoped3A : memref<!tpu.dma_semaphore, #tpu.memory_space<semaphore_mem>>) {add = true}
        %dma_wait3A = arith.constant 0 : i32
        %dma_wait3A_51 = arith.constant 0 : i32
        %dma_wait3A_52 = tpu.memref_slice %arg23[%dma_wait3A, %dma_wait3A_51] : memref<10000x128xf32, #tpu.memory_space<vmem_shared>> -> memref<10000x128xf32, #tpu.memory_space<vmem_shared>>
        tpu.wait_indirect_dma semaphore(%run_scoped3A : memref<!tpu.dma_semaphore, #tpu.memory_space<semaphore_mem>>) src(%arg17 : memref<128x128xf32, #tpu.memory_space<vmem>>) dst(%dma_wait3A_52 : memref<10000x128xf32, #tpu.memory_space<vmem_shared>>)
        tpu.yield
      }) : () -> ()
    } else {
    }
    %barrier3A_41 = arith.constant 0 : index
    tpu.barrier barrier_id(%barrier3A_41)
    %add3A_42 = arith.constant 0 : i32
    %add3A_43 = arith.addi %arg1, %add3A_42 : i32
    %lt3A_44 = arith.constant 5 : i32
    %lt3A_45 = arith.cmpi slt, %add3A_43, %lt3A_44 : i32
    %convert_element_type3A_46 = arith.extui %lt3A_45 : i1 to i32
    %cond3A_47 = arith.constant 0 : i32
    %cond3A_48 = arith.cmpi ne, %convert_element_type3A_46, %cond3A_47 : i32
    scf.if %cond3A_48 {
      %mul3A_49 = arith.constant 2000 : i32
      %mul3A_50 = arith.muli %add3A_43, %mul3A_49 : i32
      %multiple_of3A = tpu.assume_multiple %mul3A_50, 8 : i32
      "tpu.region"() ({
        %run_scoped3A = tpu.sem_alloc : memref<!tpu.dma_semaphore, #tpu.memory_space<semaphore_mem>>
        %dma_start3A = arith.constant 0 : i32
        %dma_start3A_51 = tpu.memref_slice %arg10[%arg0, %multiple_of3A, %dma_start3A] : memref<2x10000x128xf32, #tpu.memory_space<hbm>> -> memref<1x2000x128xf32, #tpu.memory_space<hbm>>
        %dma_start3A_52 = tpu.memref_squeeze %dma_start3A_51 : memref<1x2000x128xf32, #tpu.memory_space<hbm>> -> memref<2000x128xf32, #tpu.memory_space<hbm>>
        %dma_start3A_53 = arith.constant 0 : i32
        %dma_start3A_54 = tpu.memref_slice %arg23[%multiple_of3A, %dma_start3A_53] : memref<10000x128xf32, #tpu.memory_space<vmem_shared>> -> memref<2000x128xf32, #tpu.memory_space<vmem_shared>>
        tpu.enqueue_dma source(%dma_start3A_54 : memref<2000x128xf32, #tpu.memory_space<vmem_shared>>) target(%dma_start3A_52 : memref<2000x128xf32, #tpu.memory_space<hbm>>) target_semaphore(%run_scoped3A : memref<!tpu.dma_semaphore, #tpu.memory_space<semaphore_mem>>)
        %dma_wait3A = arith.constant 0 : i32
        %dma_wait3A_55 = tpu.memref_slice %arg10[%arg0, %multiple_of3A, %dma_wait3A] : memref<2x10000x128xf32, #tpu.memory_space<hbm>> -> memref<1x2000x128xf32, #tpu.memory_space<hbm>>
        %dma_wait3A_56 = tpu.memref_squeeze %dma_wait3A_55 : memref<1x2000x128xf32, #tpu.memory_space<hbm>> -> memref<2000x128xf32, #tpu.memory_space<hbm>>
        %dma_wait3A_57 = arith.constant 0 : i32
        %dma_wait3A_58 = tpu.memref_slice %arg23[%multiple_of3A, %dma_wait3A_57] : memref<10000x128xf32, #tpu.memory_space<vmem_shared>> -> memref<2000x128xf32, #tpu.memory_space<vmem_shared>>
        tpu.wait_dma2 semaphore(%run_scoped3A : memref<!tpu.dma_semaphore, #tpu.memory_space<semaphore_mem>>) src(%dma_wait3A_58 : memref<2000x128xf32, #tpu.memory_space<vmem_shared>>) dst(%dma_wait3A_56 : memref<2000x128xf32, #tpu.memory_space<hbm>>)
        tpu.yield
      }) : () -> ()
    } else {
    }
    return
  }
}

#map = affine_map<(d0, d1) -> (0, 0)>
#map1 = affine_map<(d0, d1) -> (0, 0, 0)>
module attributes {stable_mosaic.version = 14 : i64} {
  func.func @_seg_sum_body(%arg0: i32, %arg1: i32, %arg2: memref<10000x128xf32, #tpu.memory_space<hbm>>, %arg3: memref<32x78x128xi32, #tpu.memory_space<hbm>>, %arg4: memref<32x78x128xi32, #tpu.memory_space<hbm>>, %arg5: memref<4x128xi32, #tpu.memory_space<hbm>>, %arg6: memref<4x128xi32, #tpu.memory_space<hbm>>, %arg7: memref<2000x128xf32, #tpu.memory_space<hbm>>, %arg8: memref<2x10000x128xf32, #tpu.memory_space<hbm>>, %arg9: memref<128xi32, #tpu.memory_space<vmem>>, %arg10: memref<128xi32, #tpu.memory_space<vmem>>, %arg11: memref<128xi32, #tpu.memory_space<vmem>>, %arg12: memref<128xi32, #tpu.memory_space<vmem>>, %arg13: memref<128xi32, #tpu.memory_space<vmem>>, %arg14: memref<128xi32, #tpu.memory_space<vmem>>, %arg15: memref<128x128xf32, #tpu.memory_space<vmem>>, %arg16: memref<128x128xf32, #tpu.memory_space<vmem>>, %arg17: memref<128x128xf32, #tpu.memory_space<vmem>>, %arg18: memref<!tpu.dma_semaphore, #tpu.memory_space<semaphore_mem>>, %arg19: memref<!tpu.dma_semaphore, #tpu.memory_space<semaphore_mem>>, %arg20: memref<!tpu.dma_semaphore, #tpu.memory_space<semaphore_mem>>, %arg21: memref<10000x128xf32, #tpu.memory_space<vmem_shared>>) attributes {dimension_semantics = [#tpu.dimension_semantics<core_parallel>, #tpu.dimension_semantics<subcore_parallel>], iteration_bounds = array<i64: 2, 16>, scalar_prefetch = 0 : i64, scratch_operands = 13 : i64, tpu.core_type = #tpu.core_type<sc_vector_subcore>, window_params = [{transform_indices = #map}, {transform_indices = #map1}, {transform_indices = #map1}, {transform_indices = #map}, {transform_indices = #map}, {transform_indices = #map}, {transform_indices = #map1}]} {
    %mul3A = arith.constant 2 : i32
    %mul3A_0 = arith.muli %arg1, %mul3A : i32
    %add3A = arith.addi %mul3A_0, %arg0 : i32
    %add3A_1 = arith.constant 0 : i32
    %add3A_2 = arith.addi %arg1, %add3A_1 : i32
    %lt3A = arith.constant 5 : i32
    %lt3A_3 = arith.cmpi slt, %add3A_2, %lt3A : i32
    %convert_element_type3A = arith.extui %lt3A_3 : i1 to i32
    %cond3A = arith.constant 0 : i32
    %cond3A_4 = arith.cmpi ne, %convert_element_type3A, %cond3A : i32
    scf.if %cond3A_4 {
      %mul3A_22 = arith.constant 2000 : i32
      %mul3A_23 = arith.muli %add3A_2, %mul3A_22 : i32
      %multiple_of3A = tpu.assume_multiple %mul3A_23, 8 : i32
      "tpu.region"() ({
        %run_scoped3A = tpu.sem_alloc : memref<!tpu.dma_semaphore, #tpu.memory_space<semaphore_mem>>
        %dma_start3A = arith.constant 0 : i32
        %dma_start3A_24 = tpu.memref_slice %arg21[%multiple_of3A, %dma_start3A] : memref<10000x128xf32, #tpu.memory_space<vmem_shared>> -> memref<2000x128xf32, #tpu.memory_space<vmem_shared>>
        tpu.enqueue_dma source(%arg7 : memref<2000x128xf32, #tpu.memory_space<hbm>>) target(%dma_start3A_24 : memref<2000x128xf32, #tpu.memory_space<vmem_shared>>) target_semaphore(%run_scoped3A : memref<!tpu.dma_semaphore, #tpu.memory_space<semaphore_mem>>)
        %dma_wait3A = arith.constant 0 : i32
        %dma_wait3A_25 = tpu.memref_slice %arg21[%multiple_of3A, %dma_wait3A] : memref<10000x128xf32, #tpu.memory_space<vmem_shared>> -> memref<2000x128xf32, #tpu.memory_space<vmem_shared>>
        tpu.wait_dma2 semaphore(%run_scoped3A : memref<!tpu.dma_semaphore, #tpu.memory_space<semaphore_mem>>) src(%arg7 : memref<2000x128xf32, #tpu.memory_space<hbm>>) dst(%dma_wait3A_25 : memref<2000x128xf32, #tpu.memory_space<vmem_shared>>)
        tpu.yield
      }) : () -> ()
    } else {
    }
    %barrier3A = arith.constant 0 : index
    tpu.barrier barrier_id(%barrier3A)
    %scan3A = arith.constant 0 : i32
    %scan3A_5 = arith.constant 26 : i32
    %scan3A_6 = arith.addi %scan3A, %scan3A_5 : i32
    %scan3A_7 = arith.constant 1 : i32
    scf.for %scan3A_22 = %scan3A to %scan3A_6 step %scan3A_7  : i32 {
      %mul3A_23 = arith.constant 1 : i32
      %mul3A_24 = arith.muli %scan3A_22, %mul3A_23 : i32
      %add3A_25 = arith.constant 0 : i32
      %add3A_26 = arith.addi %add3A_25, %mul3A_24 : i32
      %mul3A_27 = arith.constant 3 : i32
      %mul3A_28 = arith.muli %add3A_26, %mul3A_27 : i32
      %add3A_29 = arith.constant 0 : i32
      %add3A_30 = arith.addi %mul3A_28, %add3A_29 : i32
      %dma_start3A = arith.constant 0 : i32
      %dma_start3A_31 = tpu.memref_slice %arg3[%add3A, %add3A_30, %dma_start3A] : memref<32x78x128xi32, #tpu.memory_space<hbm>> -> memref<1x1x128xi32, #tpu.memory_space<hbm>>
      %dma_start3A_32 = tpu.memref_squeeze %dma_start3A_31 : memref<1x1x128xi32, #tpu.memory_space<hbm>> -> memref<128xi32, #tpu.memory_space<hbm>>
      %dma_start3A_33 = arith.constant 0 : i32
      %dma_start3A_34 = tpu.memref_slice %arg3[%add3A, %add3A_30, %dma_start3A_33] : memref<32x78x128xi32, #tpu.memory_space<hbm>> -> memref<1x1x128xi32, #tpu.memory_space<hbm>>
      %dma_start3A_35 = tpu.memref_squeeze %dma_start3A_34 : memref<1x1x128xi32, #tpu.memory_space<hbm>> -> memref<128xi32, #tpu.memory_space<hbm>>
      tpu.enqueue_dma source(%dma_start3A_35 : memref<128xi32, #tpu.memory_space<hbm>>) target(%arg9 : memref<128xi32, #tpu.memory_space<vmem>>) target_semaphore(%arg20 : memref<!tpu.dma_semaphore, #tpu.memory_space<semaphore_mem>>)
      %add3A_36 = arith.constant 0 : i32
      %add3A_37 = arith.addi %mul3A_28, %add3A_36 : i32
      %dma_start3A_38 = arith.constant 0 : i32
      %dma_start3A_39 = tpu.memref_slice %arg4[%add3A, %add3A_37, %dma_start3A_38] : memref<32x78x128xi32, #tpu.memory_space<hbm>> -> memref<1x1x128xi32, #tpu.memory_space<hbm>>
      %dma_start3A_40 = tpu.memref_squeeze %dma_start3A_39 : memref<1x1x128xi32, #tpu.memory_space<hbm>> -> memref<128xi32, #tpu.memory_space<hbm>>
      %dma_start3A_41 = arith.constant 0 : i32
      %dma_start3A_42 = tpu.memref_slice %arg4[%add3A, %add3A_37, %dma_start3A_41] : memref<32x78x128xi32, #tpu.memory_space<hbm>> -> memref<1x1x128xi32, #tpu.memory_space<hbm>>
      %dma_start3A_43 = tpu.memref_squeeze %dma_start3A_42 : memref<1x1x128xi32, #tpu.memory_space<hbm>> -> memref<128xi32, #tpu.memory_space<hbm>>
      tpu.enqueue_dma source(%dma_start3A_43 : memref<128xi32, #tpu.memory_space<hbm>>) target(%arg12 : memref<128xi32, #tpu.memory_space<vmem>>) target_semaphore(%arg20 : memref<!tpu.dma_semaphore, #tpu.memory_space<semaphore_mem>>)
      %add3A_44 = arith.constant 1 : i32
      %add3A_45 = arith.addi %mul3A_28, %add3A_44 : i32
      %dma_start3A_46 = arith.constant 0 : i32
      %dma_start3A_47 = tpu.memref_slice %arg3[%add3A, %add3A_45, %dma_start3A_46] : memref<32x78x128xi32, #tpu.memory_space<hbm>> -> memref<1x1x128xi32, #tpu.memory_space<hbm>>
      %dma_start3A_48 = tpu.memref_squeeze %dma_start3A_47 : memref<1x1x128xi32, #tpu.memory_space<hbm>> -> memref<128xi32, #tpu.memory_space<hbm>>
      %dma_start3A_49 = arith.constant 0 : i32
      %dma_start3A_50 = tpu.memref_slice %arg3[%add3A, %add3A_45, %dma_start3A_49] : memref<32x78x128xi32, #tpu.memory_space<hbm>> -> memref<1x1x128xi32, #tpu.memory_space<hbm>>
      %dma_start3A_51 = tpu.memref_squeeze %dma_start3A_50 : memref<1x1x128xi32, #tpu.memory_space<hbm>> -> memref<128xi32, #tpu.memory_space<hbm>>
      tpu.enqueue_dma source(%dma_start3A_51 : memref<128xi32, #tpu.memory_space<hbm>>) target(%arg10 : memref<128xi32, #tpu.memory_space<vmem>>) target_semaphore(%arg20 : memref<!tpu.dma_semaphore, #tpu.memory_space<semaphore_mem>>)
      %add3A_52 = arith.constant 1 : i32
      %add3A_53 = arith.addi %mul3A_28, %add3A_52 : i32
      %dma_start3A_54 = arith.constant 0 : i32
      %dma_start3A_55 = tpu.memref_slice %arg4[%add3A, %add3A_53, %dma_start3A_54] : memref<32x78x128xi32, #tpu.memory_space<hbm>> -> memref<1x1x128xi32, #tpu.memory_space<hbm>>
      %dma_start3A_56 = tpu.memref_squeeze %dma_start3A_55 : memref<1x1x128xi32, #tpu.memory_space<hbm>> -> memref<128xi32, #tpu.memory_space<hbm>>
      %dma_start3A_57 = arith.constant 0 : i32
      %dma_start3A_58 = tpu.memref_slice %arg4[%add3A, %add3A_53, %dma_start3A_57] : memref<32x78x128xi32, #tpu.memory_space<hbm>> -> memref<1x1x128xi32, #tpu.memory_space<hbm>>
      %dma_start3A_59 = tpu.memref_squeeze %dma_start3A_58 : memref<1x1x128xi32, #tpu.memory_space<hbm>> -> memref<128xi32, #tpu.memory_space<hbm>>
      tpu.enqueue_dma source(%dma_start3A_59 : memref<128xi32, #tpu.memory_space<hbm>>) target(%arg13 : memref<128xi32, #tpu.memory_space<vmem>>) target_semaphore(%arg20 : memref<!tpu.dma_semaphore, #tpu.memory_space<semaphore_mem>>)
      %add3A_60 = arith.constant 2 : i32
      %add3A_61 = arith.addi %mul3A_28, %add3A_60 : i32
      %dma_start3A_62 = arith.constant 0 : i32
      %dma_start3A_63 = tpu.memref_slice %arg3[%add3A, %add3A_61, %dma_start3A_62] : memref<32x78x128xi32, #tpu.memory_space<hbm>> -> memref<1x1x128xi32, #tpu.memory_space<hbm>>
      %dma_start3A_64 = tpu.memref_squeeze %dma_start3A_63 : memref<1x1x128xi32, #tpu.memory_space<hbm>> -> memref<128xi32, #tpu.memory_space<hbm>>
      %dma_start3A_65 = arith.constant 0 : i32
      %dma_start3A_66 = tpu.memref_slice %arg3[%add3A, %add3A_61, %dma_start3A_65] : memref<32x78x128xi32, #tpu.memory_space<hbm>> -> memref<1x1x128xi32, #tpu.memory_space<hbm>>
      %dma_start3A_67 = tpu.memref_squeeze %dma_start3A_66 : memref<1x1x128xi32, #tpu.memory_space<hbm>> -> memref<128xi32, #tpu.memory_space<hbm>>
      tpu.enqueue_dma source(%dma_start3A_67 : memref<128xi32, #tpu.memory_space<hbm>>) target(%arg11 : memref<128xi32, #tpu.memory_space<vmem>>) target_semaphore(%arg20 : memref<!tpu.dma_semaphore, #tpu.memory_space<semaphore_mem>>)
      %add3A_68 = arith.constant 2 : i32
      %add3A_69 = arith.addi %mul3A_28, %add3A_68 : i32
      %dma_start3A_70 = arith.constant 0 : i32
      %dma_start3A_71 = tpu.memref_slice %arg4[%add3A, %add3A_69, %dma_start3A_70] : memref<32x78x128xi32, #tpu.memory_space<hbm>> -> memref<1x1x128xi32, #tpu.memory_space<hbm>>
      %dma_start3A_72 = tpu.memref_squeeze %dma_start3A_71 : memref<1x1x128xi32, #tpu.memory_space<hbm>> -> memref<128xi32, #tpu.memory_space<hbm>>
      %dma_start3A_73 = arith.constant 0 : i32
      %dma_start3A_74 = tpu.memref_slice %arg4[%add3A, %add3A_69, %dma_start3A_73] : memref<32x78x128xi32, #tpu.memory_space<hbm>> -> memref<1x1x128xi32, #tpu.memory_space<hbm>>
      %dma_start3A_75 = tpu.memref_squeeze %dma_start3A_74 : memref<1x1x128xi32, #tpu.memory_space<hbm>> -> memref<128xi32, #tpu.memory_space<hbm>>
      tpu.enqueue_dma source(%dma_start3A_75 : memref<128xi32, #tpu.memory_space<hbm>>) target(%arg14 : memref<128xi32, #tpu.memory_space<vmem>>) target_semaphore(%arg20 : memref<!tpu.dma_semaphore, #tpu.memory_space<semaphore_mem>>)
      %dma_wait3A = arith.constant 0 : i32
      %dma_wait3A_76 = tpu.memref_slice %arg3[%add3A, %add3A_30, %dma_wait3A] : memref<32x78x128xi32, #tpu.memory_space<hbm>> -> memref<1x1x128xi32, #tpu.memory_space<hbm>>
      %dma_wait3A_77 = tpu.memref_squeeze %dma_wait3A_76 : memref<1x1x128xi32, #tpu.memory_space<hbm>> -> memref<128xi32, #tpu.memory_space<hbm>>
      %dma_wait3A_78 = arith.constant 0 : i32
      %dma_wait3A_79 = tpu.memref_slice %arg3[%add3A, %add3A_30, %dma_wait3A_78] : memref<32x78x128xi32, #tpu.memory_space<hbm>> -> memref<1x1x128xi32, #tpu.memory_space<hbm>>
      %dma_wait3A_80 = tpu.memref_squeeze %dma_wait3A_79 : memref<1x1x128xi32, #tpu.memory_space<hbm>> -> memref<128xi32, #tpu.memory_space<hbm>>
      tpu.wait_dma2 semaphore(%arg20 : memref<!tpu.dma_semaphore, #tpu.memory_space<semaphore_mem>>) src(%dma_wait3A_80 : memref<128xi32, #tpu.memory_space<hbm>>) dst(%arg9 : memref<128xi32, #tpu.memory_space<vmem>>)
      %dma_start3A_81 = arith.constant 0 : i32
      %dma_start3A_82 = arith.constant 0 : i32
      %dma_start3A_83 = tpu.memref_slice %arg2[%dma_start3A_81, %dma_start3A_82] : memref<10000x128xf32, #tpu.memory_space<hbm>> -> memref<10000x128xf32, #tpu.memory_space<hbm>>
      tpu.enqueue_indirect_dma source(%dma_start3A_83 : memref<10000x128xf32, #tpu.memory_space<hbm>>) target(%arg15 : memref<128x128xf32, #tpu.memory_space<vmem>>) offsets(%arg9 : memref<128xi32, #tpu.memory_space<vmem>>) semaphore(%arg18 : memref<!tpu.dma_semaphore, #tpu.memory_space<semaphore_mem>>)
      %dma_wait3A_84 = arith.constant 0 : i32
      %dma_wait3A_85 = tpu.memref_slice %arg3[%add3A, %add3A_45, %dma_wait3A_84] : memref<32x78x128xi32, #tpu.memory_space<hbm>> -> memref<1x1x128xi32, #tpu.memory_space<hbm>>
      %dma_wait3A_86 = tpu.memref_squeeze %dma_wait3A_85 : memref<1x1x128xi32, #tpu.memory_space<hbm>> -> memref<128xi32, #tpu.memory_space<hbm>>
      %dma_wait3A_87 = arith.constant 0 : i32
      %dma_wait3A_88 = tpu.memref_slice %arg3[%add3A, %add3A_45, %dma_wait3A_87] : memref<32x78x128xi32, #tpu.memory_space<hbm>> -> memref<1x1x128xi32, #tpu.memory_space<hbm>>
      %dma_wait3A_89 = tpu.memref_squeeze %dma_wait3A_88 : memref<1x1x128xi32, #tpu.memory_space<hbm>> -> memref<128xi32, #tpu.memory_space<hbm>>
      tpu.wait_dma2 semaphore(%arg20 : memref<!tpu.dma_semaphore, #tpu.memory_space<semaphore_mem>>) src(%dma_wait3A_89 : memref<128xi32, #tpu.memory_space<hbm>>) dst(%arg10 : memref<128xi32, #tpu.memory_space<vmem>>)
      %dma_start3A_90 = arith.constant 0 : i32
      %dma_start3A_91 = arith.constant 0 : i32
      %dma_start3A_92 = tpu.memref_slice %arg2[%dma_start3A_90, %dma_start3A_91] : memref<10000x128xf32, #tpu.memory_space<hbm>> -> memref<10000x128xf32, #tpu.memory_space<hbm>>
      tpu.enqueue_indirect_dma source(%dma_start3A_92 : memref<10000x128xf32, #tpu.memory_space<hbm>>) target(%arg16 : memref<128x128xf32, #tpu.memory_space<vmem>>) offsets(%arg10 : memref<128xi32, #tpu.memory_space<vmem>>) semaphore(%arg18 : memref<!tpu.dma_semaphore, #tpu.memory_space<semaphore_mem>>)
      %dma_wait3A_93 = arith.constant 0 : i32
      %dma_wait3A_94 = tpu.memref_slice %arg3[%add3A, %add3A_61, %dma_wait3A_93] : memref<32x78x128xi32, #tpu.memory_space<hbm>> -> memref<1x1x128xi32, #tpu.memory_space<hbm>>
      %dma_wait3A_95 = tpu.memref_squeeze %dma_wait3A_94 : memref<1x1x128xi32, #tpu.memory_space<hbm>> -> memref<128xi32, #tpu.memory_space<hbm>>
      %dma_wait3A_96 = arith.constant 0 : i32
      %dma_wait3A_97 = tpu.memref_slice %arg3[%add3A, %add3A_61, %dma_wait3A_96] : memref<32x78x128xi32, #tpu.memory_space<hbm>> -> memref<1x1x128xi32, #tpu.memory_space<hbm>>
      %dma_wait3A_98 = tpu.memref_squeeze %dma_wait3A_97 : memref<1x1x128xi32, #tpu.memory_space<hbm>> -> memref<128xi32, #tpu.memory_space<hbm>>
      tpu.wait_dma2 semaphore(%arg20 : memref<!tpu.dma_semaphore, #tpu.memory_space<semaphore_mem>>) src(%dma_wait3A_98 : memref<128xi32, #tpu.memory_space<hbm>>) dst(%arg11 : memref<128xi32, #tpu.memory_space<vmem>>)
      %dma_start3A_99 = arith.constant 0 : i32
      %dma_start3A_100 = arith.constant 0 : i32
      %dma_start3A_101 = tpu.memref_slice %arg2[%dma_start3A_99, %dma_start3A_100] : memref<10000x128xf32, #tpu.memory_space<hbm>> -> memref<10000x128xf32, #tpu.memory_space<hbm>>
      tpu.enqueue_indirect_dma source(%dma_start3A_101 : memref<10000x128xf32, #tpu.memory_space<hbm>>) target(%arg17 : memref<128x128xf32, #tpu.memory_space<vmem>>) offsets(%arg11 : memref<128xi32, #tpu.memory_space<vmem>>) semaphore(%arg18 : memref<!tpu.dma_semaphore, #tpu.memory_space<semaphore_mem>>)
      %dma_wait3A_102 = arith.constant 0 : i32
      %dma_wait3A_103 = tpu.memref_slice %arg4[%add3A, %add3A_37, %dma_wait3A_102] : memref<32x78x128xi32, #tpu.memory_space<hbm>> -> memref<1x1x128xi32, #tpu.memory_space<hbm>>
      %dma_wait3A_104 = tpu.memref_squeeze %dma_wait3A_103 : memref<1x1x128xi32, #tpu.memory_space<hbm>> -> memref<128xi32, #tpu.memory_space<hbm>>
      %dma_wait3A_105 = arith.constant 0 : i32
      %dma_wait3A_106 = tpu.memref_slice %arg4[%add3A, %add3A_37, %dma_wait3A_105] : memref<32x78x128xi32, #tpu.memory_space<hbm>> -> memref<1x1x128xi32, #tpu.memory_space<hbm>>
      %dma_wait3A_107 = tpu.memref_squeeze %dma_wait3A_106 : memref<1x1x128xi32, #tpu.memory_space<hbm>> -> memref<128xi32, #tpu.memory_space<hbm>>
      tpu.wait_dma2 semaphore(%arg20 : memref<!tpu.dma_semaphore, #tpu.memory_space<semaphore_mem>>) src(%dma_wait3A_107 : memref<128xi32, #tpu.memory_space<hbm>>) dst(%arg12 : memref<128xi32, #tpu.memory_space<vmem>>)
      %dma_wait3A_108 = arith.constant 0 : i32
      %dma_wait3A_109 = arith.constant 0 : i32
      %dma_wait3A_110 = tpu.memref_slice %arg2[%dma_wait3A_108, %dma_wait3A_109] : memref<10000x128xf32, #tpu.memory_space<hbm>> -> memref<10000x128xf32, #tpu.memory_space<hbm>>
      tpu.wait_indirect_dma semaphore(%arg18 : memref<!tpu.dma_semaphore, #tpu.memory_space<semaphore_mem>>) src(%dma_wait3A_110 : memref<10000x128xf32, #tpu.memory_space<hbm>>) dst(%arg15 : memref<128x128xf32, #tpu.memory_space<vmem>>)
      %dma_start3A_111 = arith.constant 0 : i32
      %dma_start3A_112 = arith.constant 0 : i32
      %dma_start3A_113 = tpu.memref_slice %arg21[%dma_start3A_111, %dma_start3A_112] : memref<10000x128xf32, #tpu.memory_space<vmem_shared>> -> memref<10000x128xf32, #tpu.memory_space<vmem_shared>>
      tpu.enqueue_indirect_dma source(%arg15 : memref<128x128xf32, #tpu.memory_space<vmem>>) target(%dma_start3A_113 : memref<10000x128xf32, #tpu.memory_space<vmem_shared>>) offsets(%arg12 : memref<128xi32, #tpu.memory_space<vmem>>) semaphore(%arg19 : memref<!tpu.dma_semaphore, #tpu.memory_space<semaphore_mem>>) {add = true}
      %dma_wait3A_114 = arith.constant 0 : i32
      %dma_wait3A_115 = tpu.memref_slice %arg4[%add3A, %add3A_53, %dma_wait3A_114] : memref<32x78x128xi32, #tpu.memory_space<hbm>> -> memref<1x1x128xi32, #tpu.memory_space<hbm>>
      %dma_wait3A_116 = tpu.memref_squeeze %dma_wait3A_115 : memref<1x1x128xi32, #tpu.memory_space<hbm>> -> memref<128xi32, #tpu.memory_space<hbm>>
      %dma_wait3A_117 = arith.constant 0 : i32
      %dma_wait3A_118 = tpu.memref_slice %arg4[%add3A, %add3A_53, %dma_wait3A_117] : memref<32x78x128xi32, #tpu.memory_space<hbm>> -> memref<1x1x128xi32, #tpu.memory_space<hbm>>
      %dma_wait3A_119 = tpu.memref_squeeze %dma_wait3A_118 : memref<1x1x128xi32, #tpu.memory_space<hbm>> -> memref<128xi32, #tpu.memory_space<hbm>>
      tpu.wait_dma2 semaphore(%arg20 : memref<!tpu.dma_semaphore, #tpu.memory_space<semaphore_mem>>) src(%dma_wait3A_119 : memref<128xi32, #tpu.memory_space<hbm>>) dst(%arg13 : memref<128xi32, #tpu.memory_space<vmem>>)
      %dma_wait3A_120 = arith.constant 0 : i32
      %dma_wait3A_121 = arith.constant 0 : i32
      %dma_wait3A_122 = tpu.memref_slice %arg2[%dma_wait3A_120, %dma_wait3A_121] : memref<10000x128xf32, #tpu.memory_space<hbm>> -> memref<10000x128xf32, #tpu.memory_space<hbm>>
      tpu.wait_indirect_dma semaphore(%arg18 : memref<!tpu.dma_semaphore, #tpu.memory_space<semaphore_mem>>) src(%dma_wait3A_122 : memref<10000x128xf32, #tpu.memory_space<hbm>>) dst(%arg16 : memref<128x128xf32, #tpu.memory_space<vmem>>)
      %dma_start3A_123 = arith.constant 0 : i32
      %dma_start3A_124 = arith.constant 0 : i32
      %dma_start3A_125 = tpu.memref_slice %arg21[%dma_start3A_123, %dma_start3A_124] : memref<10000x128xf32, #tpu.memory_space<vmem_shared>> -> memref<10000x128xf32, #tpu.memory_space<vmem_shared>>
      tpu.enqueue_indirect_dma source(%arg16 : memref<128x128xf32, #tpu.memory_space<vmem>>) target(%dma_start3A_125 : memref<10000x128xf32, #tpu.memory_space<vmem_shared>>) offsets(%arg13 : memref<128xi32, #tpu.memory_space<vmem>>) semaphore(%arg19 : memref<!tpu.dma_semaphore, #tpu.memory_space<semaphore_mem>>) {add = true}
      %dma_wait3A_126 = arith.constant 0 : i32
      %dma_wait3A_127 = tpu.memref_slice %arg4[%add3A, %add3A_69, %dma_wait3A_126] : memref<32x78x128xi32, #tpu.memory_space<hbm>> -> memref<1x1x128xi32, #tpu.memory_space<hbm>>
      %dma_wait3A_128 = tpu.memref_squeeze %dma_wait3A_127 : memref<1x1x128xi32, #tpu.memory_space<hbm>> -> memref<128xi32, #tpu.memory_space<hbm>>
      %dma_wait3A_129 = arith.constant 0 : i32
      %dma_wait3A_130 = tpu.memref_slice %arg4[%add3A, %add3A_69, %dma_wait3A_129] : memref<32x78x128xi32, #tpu.memory_space<hbm>> -> memref<1x1x128xi32, #tpu.memory_space<hbm>>
      %dma_wait3A_131 = tpu.memref_squeeze %dma_wait3A_130 : memref<1x1x128xi32, #tpu.memory_space<hbm>> -> memref<128xi32, #tpu.memory_space<hbm>>
      tpu.wait_dma2 semaphore(%arg20 : memref<!tpu.dma_semaphore, #tpu.memory_space<semaphore_mem>>) src(%dma_wait3A_131 : memref<128xi32, #tpu.memory_space<hbm>>) dst(%arg14 : memref<128xi32, #tpu.memory_space<vmem>>)
      %dma_wait3A_132 = arith.constant 0 : i32
      %dma_wait3A_133 = arith.constant 0 : i32
      %dma_wait3A_134 = tpu.memref_slice %arg2[%dma_wait3A_132, %dma_wait3A_133] : memref<10000x128xf32, #tpu.memory_space<hbm>> -> memref<10000x128xf32, #tpu.memory_space<hbm>>
      tpu.wait_indirect_dma semaphore(%arg18 : memref<!tpu.dma_semaphore, #tpu.memory_space<semaphore_mem>>) src(%dma_wait3A_134 : memref<10000x128xf32, #tpu.memory_space<hbm>>) dst(%arg17 : memref<128x128xf32, #tpu.memory_space<vmem>>)
      %dma_start3A_135 = arith.constant 0 : i32
      %dma_start3A_136 = arith.constant 0 : i32
      %dma_start3A_137 = tpu.memref_slice %arg21[%dma_start3A_135, %dma_start3A_136] : memref<10000x128xf32, #tpu.memory_space<vmem_shared>> -> memref<10000x128xf32, #tpu.memory_space<vmem_shared>>
      tpu.enqueue_indirect_dma source(%arg17 : memref<128x128xf32, #tpu.memory_space<vmem>>) target(%dma_start3A_137 : memref<10000x128xf32, #tpu.memory_space<vmem_shared>>) offsets(%arg14 : memref<128xi32, #tpu.memory_space<vmem>>) semaphore(%arg19 : memref<!tpu.dma_semaphore, #tpu.memory_space<semaphore_mem>>) {add = true}
      %dma_wait3A_138 = arith.constant 0 : i32
      %dma_wait3A_139 = arith.constant 0 : i32
      %dma_wait3A_140 = tpu.memref_slice %arg21[%dma_wait3A_138, %dma_wait3A_139] : memref<10000x128xf32, #tpu.memory_space<vmem_shared>> -> memref<10000x128xf32, #tpu.memory_space<vmem_shared>>
      tpu.wait_indirect_dma semaphore(%arg19 : memref<!tpu.dma_semaphore, #tpu.memory_space<semaphore_mem>>) src(%arg15 : memref<128x128xf32, #tpu.memory_space<vmem>>) dst(%dma_wait3A_140 : memref<10000x128xf32, #tpu.memory_space<vmem_shared>>)
      %dma_wait3A_141 = arith.constant 0 : i32
      %dma_wait3A_142 = arith.constant 0 : i32
      %dma_wait3A_143 = tpu.memref_slice %arg21[%dma_wait3A_141, %dma_wait3A_142] : memref<10000x128xf32, #tpu.memory_space<vmem_shared>> -> memref<10000x128xf32, #tpu.memory_space<vmem_shared>>
      tpu.wait_indirect_dma semaphore(%arg19 : memref<!tpu.dma_semaphore, #tpu.memory_space<semaphore_mem>>) src(%arg16 : memref<128x128xf32, #tpu.memory_space<vmem>>) dst(%dma_wait3A_143 : memref<10000x128xf32, #tpu.memory_space<vmem_shared>>)
      %dma_wait3A_144 = arith.constant 0 : i32
      %dma_wait3A_145 = arith.constant 0 : i32
      %dma_wait3A_146 = tpu.memref_slice %arg21[%dma_wait3A_144, %dma_wait3A_145] : memref<10000x128xf32, #tpu.memory_space<vmem_shared>> -> memref<10000x128xf32, #tpu.memory_space<vmem_shared>>
      tpu.wait_indirect_dma semaphore(%arg19 : memref<!tpu.dma_semaphore, #tpu.memory_space<semaphore_mem>>) src(%arg17 : memref<128x128xf32, #tpu.memory_space<vmem>>) dst(%dma_wait3A_146 : memref<10000x128xf32, #tpu.memory_space<vmem_shared>>)
    }
    %scan3A_8 = arith.constant 26 : i32
    %lt3A_9 = arith.constant 4 : i32
    %lt3A_10 = arith.cmpi slt, %add3A, %lt3A_9 : i32
    %convert_element_type3A_11 = arith.extui %lt3A_10 : i1 to i32
    %cond3A_12 = arith.constant 0 : i32
    %cond3A_13 = arith.cmpi ne, %convert_element_type3A_11, %cond3A_12 : i32
    scf.if %cond3A_13 {
      "tpu.region"() ({
        %run_scoped3A = tpu.sem_alloc : memref<!tpu.dma_semaphore, #tpu.memory_space<semaphore_mem>>
        %dma_start3A_26 = arith.constant 0 : i32
        %dma_start3A_27 = tpu.memref_slice %arg5[%add3A, %dma_start3A_26] : memref<4x128xi32, #tpu.memory_space<hbm>> -> memref<1x128xi32, #tpu.memory_space<hbm>>
        %dma_start3A_28 = tpu.memref_squeeze %dma_start3A_27 : memref<1x128xi32, #tpu.memory_space<hbm>> -> memref<128xi32, #tpu.memory_space<hbm>>
        %dma_start3A_29 = arith.constant 0 : i32
        %dma_start3A_30 = tpu.memref_slice %arg5[%add3A, %dma_start3A_29] : memref<4x128xi32, #tpu.memory_space<hbm>> -> memref<1x128xi32, #tpu.memory_space<hbm>>
        %dma_start3A_31 = tpu.memref_squeeze %dma_start3A_30 : memref<1x128xi32, #tpu.memory_space<hbm>> -> memref<128xi32, #tpu.memory_space<hbm>>
        tpu.enqueue_dma source(%dma_start3A_31 : memref<128xi32, #tpu.memory_space<hbm>>) target(%arg12 : memref<128xi32, #tpu.memory_space<vmem>>) target_semaphore(%run_scoped3A : memref<!tpu.dma_semaphore, #tpu.memory_space<semaphore_mem>>)
        %dma_wait3A_32 = arith.constant 0 : i32
        %dma_wait3A_33 = tpu.memref_slice %arg5[%add3A, %dma_wait3A_32] : memref<4x128xi32, #tpu.memory_space<hbm>> -> memref<1x128xi32, #tpu.memory_space<hbm>>
        %dma_wait3A_34 = tpu.memref_squeeze %dma_wait3A_33 : memref<1x128xi32, #tpu.memory_space<hbm>> -> memref<128xi32, #tpu.memory_space<hbm>>
        %dma_wait3A_35 = arith.constant 0 : i32
        %dma_wait3A_36 = tpu.memref_slice %arg5[%add3A, %dma_wait3A_35] : memref<4x128xi32, #tpu.memory_space<hbm>> -> memref<1x128xi32, #tpu.memory_space<hbm>>
        %dma_wait3A_37 = tpu.memref_squeeze %dma_wait3A_36 : memref<1x128xi32, #tpu.memory_space<hbm>> -> memref<128xi32, #tpu.memory_space<hbm>>
        tpu.wait_dma2 semaphore(%run_scoped3A : memref<!tpu.dma_semaphore, #tpu.memory_space<semaphore_mem>>) src(%dma_wait3A_37 : memref<128xi32, #tpu.memory_space<hbm>>) dst(%arg12 : memref<128xi32, #tpu.memory_space<vmem>>)
        tpu.yield
      }) : () -> ()
      "tpu.region"() ({
        %run_scoped3A = tpu.sem_alloc : memref<!tpu.dma_semaphore, #tpu.memory_space<semaphore_mem>>
        %dma_start3A_26 = arith.constant 0 : i32
        %dma_start3A_27 = tpu.memref_slice %arg6[%add3A, %dma_start3A_26] : memref<4x128xi32, #tpu.memory_space<hbm>> -> memref<1x128xi32, #tpu.memory_space<hbm>>
        %dma_start3A_28 = tpu.memref_squeeze %dma_start3A_27 : memref<1x128xi32, #tpu.memory_space<hbm>> -> memref<128xi32, #tpu.memory_space<hbm>>
        %dma_start3A_29 = arith.constant 0 : i32
        %dma_start3A_30 = tpu.memref_slice %arg6[%add3A, %dma_start3A_29] : memref<4x128xi32, #tpu.memory_space<hbm>> -> memref<1x128xi32, #tpu.memory_space<hbm>>
        %dma_start3A_31 = tpu.memref_squeeze %dma_start3A_30 : memref<1x128xi32, #tpu.memory_space<hbm>> -> memref<128xi32, #tpu.memory_space<hbm>>
        tpu.enqueue_dma source(%dma_start3A_31 : memref<128xi32, #tpu.memory_space<hbm>>) target(%arg13 : memref<128xi32, #tpu.memory_space<vmem>>) target_semaphore(%run_scoped3A : memref<!tpu.dma_semaphore, #tpu.memory_space<semaphore_mem>>)
        %dma_wait3A_32 = arith.constant 0 : i32
        %dma_wait3A_33 = tpu.memref_slice %arg6[%add3A, %dma_wait3A_32] : memref<4x128xi32, #tpu.memory_space<hbm>> -> memref<1x128xi32, #tpu.memory_space<hbm>>
        %dma_wait3A_34 = tpu.memref_squeeze %dma_wait3A_33 : memref<1x128xi32, #tpu.memory_space<hbm>> -> memref<128xi32, #tpu.memory_space<hbm>>
        %dma_wait3A_35 = arith.constant 0 : i32
        %dma_wait3A_36 = tpu.memref_slice %arg6[%add3A, %dma_wait3A_35] : memref<4x128xi32, #tpu.memory_space<hbm>> -> memref<1x128xi32, #tpu.memory_space<hbm>>
        %dma_wait3A_37 = tpu.memref_squeeze %dma_wait3A_36 : memref<1x128xi32, #tpu.memory_space<hbm>> -> memref<128xi32, #tpu.memory_space<hbm>>
        tpu.wait_dma2 semaphore(%run_scoped3A : memref<!tpu.dma_semaphore, #tpu.memory_space<semaphore_mem>>) src(%dma_wait3A_37 : memref<128xi32, #tpu.memory_space<hbm>>) dst(%arg13 : memref<128xi32, #tpu.memory_space<vmem>>)
        tpu.yield
      }) : () -> ()
      %dma_start3A = arith.constant 0 : i32
      %dma_start3A_22 = arith.constant 0 : i32
      %dma_start3A_23 = tpu.memref_slice %arg2[%dma_start3A, %dma_start3A_22] : memref<10000x128xf32, #tpu.memory_space<hbm>> -> memref<10000x128xf32, #tpu.memory_space<hbm>>
      tpu.enqueue_indirect_dma source(%dma_start3A_23 : memref<10000x128xf32, #tpu.memory_space<hbm>>) target(%arg15 : memref<128x128xf32, #tpu.memory_space<vmem>>) offsets(%arg12 : memref<128xi32, #tpu.memory_space<vmem>>) semaphore(%arg18 : memref<!tpu.dma_semaphore, #tpu.memory_space<semaphore_mem>>)
      %dma_wait3A = arith.constant 0 : i32
      %dma_wait3A_24 = arith.constant 0 : i32
      %dma_wait3A_25 = tpu.memref_slice %arg2[%dma_wait3A, %dma_wait3A_24] : memref<10000x128xf32, #tpu.memory_space<hbm>> -> memref<10000x128xf32, #tpu.memory_space<hbm>>
      tpu.wait_indirect_dma semaphore(%arg18 : memref<!tpu.dma_semaphore, #tpu.memory_space<semaphore_mem>>) src(%dma_wait3A_25 : memref<10000x128xf32, #tpu.memory_space<hbm>>) dst(%arg15 : memref<128x128xf32, #tpu.memory_space<vmem>>)
      "tpu.region"() ({
        %run_scoped3A = tpu.sem_alloc : memref<!tpu.dma_semaphore, #tpu.memory_space<semaphore_mem>>
        %dma_start3A_26 = arith.constant 0 : i32
        %dma_start3A_27 = arith.constant 0 : i32
        %dma_start3A_28 = tpu.memref_slice %arg21[%dma_start3A_26, %dma_start3A_27] : memref<10000x128xf32, #tpu.memory_space<vmem_shared>> -> memref<10000x128xf32, #tpu.memory_space<vmem_shared>>
        tpu.enqueue_indirect_dma source(%arg15 : memref<128x128xf32, #tpu.memory_space<vmem>>) target(%dma_start3A_28 : memref<10000x128xf32, #tpu.memory_space<vmem_shared>>) offsets(%arg13 : memref<128xi32, #tpu.memory_space<vmem>>) semaphore(%run_scoped3A : memref<!tpu.dma_semaphore, #tpu.memory_space<semaphore_mem>>) {add = true}
        %dma_wait3A_29 = arith.constant 0 : i32
        %dma_wait3A_30 = arith.constant 0 : i32
        %dma_wait3A_31 = tpu.memref_slice %arg21[%dma_wait3A_29, %dma_wait3A_30] : memref<10000x128xf32, #tpu.memory_space<vmem_shared>> -> memref<10000x128xf32, #tpu.memory_space<vmem_shared>>
        tpu.wait_indirect_dma semaphore(%run_scoped3A : memref<!tpu.dma_semaphore, #tpu.memory_space<semaphore_mem>>) src(%arg15 : memref<128x128xf32, #tpu.memory_space<vmem>>) dst(%dma_wait3A_31 : memref<10000x128xf32, #tpu.memory_space<vmem_shared>>)
        tpu.yield
      }) : () -> ()
    } else {
    }
    %barrier3A_14 = arith.constant 0 : index
    tpu.barrier barrier_id(%barrier3A_14)
    %add3A_15 = arith.constant 0 : i32
    %add3A_16 = arith.addi %arg1, %add3A_15 : i32
    %lt3A_17 = arith.constant 5 : i32
    %lt3A_18 = arith.cmpi slt, %add3A_16, %lt3A_17 : i32
    %convert_element_type3A_19 = arith.extui %lt3A_18 : i1 to i32
    %cond3A_20 = arith.constant 0 : i32
    %cond3A_21 = arith.cmpi ne, %convert_element_type3A_19, %cond3A_20 : i32
    scf.if %cond3A_21 {
      %mul3A_22 = arith.constant 2000 : i32
      %mul3A_23 = arith.muli %add3A_16, %mul3A_22 : i32
      %multiple_of3A = tpu.assume_multiple %mul3A_23, 8 : i32
      "tpu.region"() ({
        %run_scoped3A = tpu.sem_alloc : memref<!tpu.dma_semaphore, #tpu.memory_space<semaphore_mem>>
        %dma_start3A = arith.constant 0 : i32
        %dma_start3A_24 = tpu.memref_slice %arg8[%arg0, %multiple_of3A, %dma_start3A] : memref<2x10000x128xf32, #tpu.memory_space<hbm>> -> memref<1x2000x128xf32, #tpu.memory_space<hbm>>
        %dma_start3A_25 = tpu.memref_squeeze %dma_start3A_24 : memref<1x2000x128xf32, #tpu.memory_space<hbm>> -> memref<2000x128xf32, #tpu.memory_space<hbm>>
        %dma_start3A_26 = arith.constant 0 : i32
        %dma_start3A_27 = tpu.memref_slice %arg21[%multiple_of3A, %dma_start3A_26] : memref<10000x128xf32, #tpu.memory_space<vmem_shared>> -> memref<2000x128xf32, #tpu.memory_space<vmem_shared>>
        tpu.enqueue_dma source(%dma_start3A_27 : memref<2000x128xf32, #tpu.memory_space<vmem_shared>>) target(%dma_start3A_25 : memref<2000x128xf32, #tpu.memory_space<hbm>>) target_semaphore(%run_scoped3A : memref<!tpu.dma_semaphore, #tpu.memory_space<semaphore_mem>>)
        %dma_wait3A = arith.constant 0 : i32
        %dma_wait3A_28 = tpu.memref_slice %arg8[%arg0, %multiple_of3A, %dma_wait3A] : memref<2x10000x128xf32, #tpu.memory_space<hbm>> -> memref<1x2000x128xf32, #tpu.memory_space<hbm>>
        %dma_wait3A_29 = tpu.memref_squeeze %dma_wait3A_28 : memref<1x2000x128xf32, #tpu.memory_space<hbm>> -> memref<2000x128xf32, #tpu.memory_space<hbm>>
        %dma_wait3A_30 = arith.constant 0 : i32
        %dma_wait3A_31 = tpu.memref_slice %arg21[%multiple_of3A, %dma_wait3A_30] : memref<10000x128xf32, #tpu.memory_space<vmem_shared>> -> memref<2000x128xf32, #tpu.memory_space<vmem_shared>>
        tpu.wait_dma2 semaphore(%run_scoped3A : memref<!tpu.dma_semaphore, #tpu.memory_space<semaphore_mem>>) src(%dma_wait3A_31 : memref<2000x128xf32, #tpu.memory_space<vmem_shared>>) dst(%dma_wait3A_29 : memref<2000x128xf32, #tpu.memory_space<hbm>>)
        tpu.yield
      }) : () -> ()
    } else {
    }
    return
  }
}

module attributes {stable_mosaic.version = 14 : i64} {
  func.func @_layer_body(%arg0: i32, %arg1: memref<2x1000x128xf32, #tpu.memory_space<vmem>>, %arg2: memref<2x1000x128xf32, #tpu.memory_space<vmem>>, %arg3: memref<1000x128xf32, #tpu.memory_space<vmem>>, %arg4: memref<128x128xf32, #tpu.memory_space<vmem>>, %arg5: memref<1x128xf32, #tpu.memory_space<vmem>>, %arg6: memref<128x128xf32, #tpu.memory_space<vmem>>, %arg7: memref<1000x128xf32, #tpu.memory_space<vmem>>) attributes {dimension_semantics = [#tpu.dimension_semantics<arbitrary>], iteration_bounds = array<i64: 10>, scalar_prefetch = 0 : i64, scratch_operands = 0 : i64, tpu.core_type = #tpu.core_type<tc>, window_params = [{transform_indices = @transform_0, window_bounds = array<i64: 2, 1000, 128>}, {transform_indices = @transform_1, window_bounds = array<i64: 2, 1000, 128>}, {transform_indices = @transform_2, window_bounds = array<i64: 1000, 128>}, {pipeline_mode = #tpu.pipeline_mode<synchronous>, transform_indices = @transform_3, window_bounds = array<i64: 128, 128>}, {pipeline_mode = #tpu.pipeline_mode<synchronous>, transform_indices = @transform_4, window_bounds = array<i64: 1, 128>}, {pipeline_mode = #tpu.pipeline_mode<synchronous>, transform_indices = @transform_5, window_bounds = array<i64: 128, 128>}, {transform_indices = @transform_6, window_bounds = array<i64: 1000, 128>}]} {
    %get3A = arith.constant 0 : index
    %get3A_0 = arith.constant 0 : index
    %get3A_1 = arith.constant 0 : index
    %get3A_2 = vector.load %arg1[%get3A, %get3A_0, %get3A_1] : memref<2x1000x128xf32, #tpu.memory_space<vmem>>, vector<1x1000x128xf32>
    %get3A_3 = vector.shape_cast %get3A_2 : vector<1x1000x128xf32> to vector<1000x128xf32>
    %get3A_4 = arith.constant 1 : index
    %get3A_5 = arith.constant 0 : index
    %get3A_6 = arith.constant 0 : index
    %get3A_7 = vector.load %arg1[%get3A_4, %get3A_5, %get3A_6] : memref<2x1000x128xf32, #tpu.memory_space<vmem>>, vector<1x1000x128xf32>
    %get3A_8 = vector.shape_cast %get3A_7 : vector<1x1000x128xf32> to vector<1000x128xf32>
    %add3A = arith.addf %get3A_3, %get3A_8 : vector<1000x128xf32>
    %get3A_9 = arith.constant 0 : index
    %get3A_10 = arith.constant 0 : index
    %get3A_11 = arith.constant 0 : index
    %get3A_12 = vector.load %arg2[%get3A_9, %get3A_10, %get3A_11] : memref<2x1000x128xf32, #tpu.memory_space<vmem>>, vector<1x1000x1xf32>
    %get3A_13 = vector.shape_cast %get3A_12 : vector<1x1000x1xf32> to vector<1000xf32>
    %get3A_14 = arith.constant 1 : index
    %get3A_15 = arith.constant 0 : index
    %get3A_16 = arith.constant 0 : index
    %get3A_17 = vector.load %arg2[%get3A_14, %get3A_15, %get3A_16] : memref<2x1000x128xf32, #tpu.memory_space<vmem>>, vector<1x1000x1xf32>
    %get3A_18 = vector.shape_cast %get3A_17 : vector<1x1000x1xf32> to vector<1000xf32>
    %add3A_19 = arith.addf %get3A_13, %get3A_18 : vector<1000xf32>
    %jit3A = arith.constant 1.000000e+00 : f32
    %max3A = vector.broadcast %jit3A : f32 to vector<1000xf32>
    %max3A_20 = arith.maximumf %max3A, %add3A_19 : vector<1000xf32>
    %broadcast_in_dim3A = vector.shape_cast %max3A_20 : vector<1000xf32> to vector<1000x1xf32>
    %div3A = vector.broadcast %broadcast_in_dim3A : vector<1000x1xf32> to vector<1000x128xf32>
    %div3A_21 = arith.divf %add3A, %div3A : vector<1000x128xf32>
    %get3A_22 = arith.constant 0 : index
    %get3A_23 = arith.constant 0 : index
    %get3A_24 = vector.load %arg4[%get3A_22, %get3A_23] : memref<128x128xf32, #tpu.memory_space<vmem>>, vector<128x128xf32>
    %dot_general3A = arith.constant dense<0.000000e+00> : vector<1000x128xf32>
    %dot_general3A_25 = tpu.matmul %div3A_21, %get3A_24, %dot_general3A {dimension_numbers = #tpu.dot_dimension_numbers<[1], [1], [0], [0], [0, 0, 1, 0], [], []>, precision = #tpu.contract_precision<fp32>, transpose_lhs_hint = false} : vector<1000x128xf32>, vector<128x128xf32>, vector<1000x128xf32> -> vector<1000x128xf32>
    %get3A_26 = arith.constant 0 : index
    %get3A_27 = arith.constant 0 : index
    %get3A_28 = vector.load %arg5[%get3A_26, %get3A_27] : memref<1x128xf32, #tpu.memory_space<vmem>>, vector<1x128xf32>
    %add3A_29 = vector.broadcast %get3A_28 : vector<1x128xf32> to vector<1000x128xf32>
    %add3A_30 = arith.addf %dot_general3A_25, %add3A_29 : vector<1000x128xf32>
    %get3A_31 = arith.constant 0 : index
    %get3A_32 = arith.constant 0 : index
    %get3A_33 = vector.load %arg3[%get3A_31, %get3A_32] : memref<1000x128xf32, #tpu.memory_space<vmem>>, vector<1000x128xf32>
    %get3A_34 = arith.constant 0 : index
    %get3A_35 = arith.constant 0 : index
    %get3A_36 = vector.load %arg6[%get3A_34, %get3A_35] : memref<128x128xf32, #tpu.memory_space<vmem>>, vector<128x128xf32>
    %dot_general3A_37 = arith.constant dense<0.000000e+00> : vector<1000x128xf32>
    %dot_general3A_38 = tpu.matmul %get3A_33, %get3A_36, %dot_general3A_37 {dimension_numbers = #tpu.dot_dimension_numbers<[1], [1], [0], [0], [0, 0, 1, 0], [], []>, precision = #tpu.contract_precision<fp32>, transpose_lhs_hint = false} : vector<1000x128xf32>, vector<128x128xf32>, vector<1000x128xf32> -> vector<1000x128xf32>
    %add3A_39 = arith.addf %add3A_30, %dot_general3A_38 : vector<1000x128xf32>
    %max3A_40 = arith.constant 0.000000e+00 : f32
    %max3A_41 = vector.broadcast %max3A_40 : f32 to vector<1000x128xf32>
    %max3A_42 = arith.maximumf %add3A_39, %max3A_41 : vector<1000x128xf32>
    %swap3A = arith.constant 0 : index
    %swap3A_43 = arith.constant 0 : index
    %swap3A_44 = vector.load %arg7[%swap3A, %swap3A_43] : memref<1000x128xf32, #tpu.memory_space<vmem>>, vector<1000x128xf32>
    tpu.vector_store %arg7[%swap3A, %swap3A_43], %max3A_42 {strides = array<i32>} : memref<1000x128xf32, #tpu.memory_space<vmem>>, vector<1000x128xf32>,
    return
  }
  func.func @transform_0(%arg0: i32) -> (i32, i32, i32) {
    %c0_i32 = arith.constant 0 : i32
    %c0_i32_0 = arith.constant 0 : i32
    %c0_i32_1 = arith.constant 0 : i32
    return %c0_i32, %arg0, %c0_i32_0 : i32, i32, i32
  }
  func.func @transform_1(%arg0: i32) -> (i32, i32, i32) {
    %c0_i32 = arith.constant 0 : i32
    %c0_i32_0 = arith.constant 0 : i32
    %c0_i32_1 = arith.constant 0 : i32
    return %c0_i32, %arg0, %c0_i32_0 : i32, i32, i32
  }
  func.func @transform_2(%arg0: i32) -> (i32, i32) {
    %c0_i32 = arith.constant 0 : i32
    %c0_i32_0 = arith.constant 0 : i32
    return %arg0, %c0_i32 : i32, i32
  }
  func.func @transform_3(%arg0: i32) -> (i32, i32) {
    %c0_i32 = arith.constant 0 : i32
    %c0_i32_0 = arith.constant 0 : i32
    %c0_i32_1 = arith.constant 0 : i32
    return %c0_i32, %c0_i32_0 : i32, i32
  }
  func.func @transform_4(%arg0: i32) -> (i32, i32) {
    %c0_i32 = arith.constant 0 : i32
    %c0_i32_0 = arith.constant 0 : i32
    %c0_i32_1 = arith.constant 0 : i32
    return %c0_i32, %c0_i32_0 : i32, i32
  }
  func.func @transform_5(%arg0: i32) -> (i32, i32) {
    %c0_i32 = arith.constant 0 : i32
    %c0_i32_0 = arith.constant 0 : i32
    %c0_i32_1 = arith.constant 0 : i32
    return %c0_i32, %c0_i32_0 : i32, i32
  }
  func.func @transform_6(%arg0: i32) -> (i32, i32) {
    %c0_i32 = arith.constant 0 : i32
    %c0_i32_0 = arith.constant 0 : i32
    return %arg0, %c0_i32 : i32, i32
  }
}

module attributes {stable_mosaic.version = 14 : i64} {
  func.func @_layer2_pool_body(%arg0: i32, %arg1: memref<2x1000x128xf32, #tpu.memory_space<vmem>>, %arg2: memref<2x1000x128xf32, #tpu.memory_space<vmem>>, %arg3: memref<1000x128xf32, #tpu.memory_space<vmem>>, %arg4: memref<128x128xf32, #tpu.memory_space<vmem>>, %arg5: memref<1x128xf32, #tpu.memory_space<vmem>>, %arg6: memref<128x128xf32, #tpu.memory_space<vmem>>, %arg7: memref<1x1x1000xi32, #tpu.memory_space<vmem>>, %arg8: memref<64x128xf32, #tpu.memory_space<vmem>>, %arg9: memref<1x64xf32, #tpu.memory_space<vmem>>, %arg10: memref<64x64xf32, #tpu.memory_space<vmem>>, %arg11: memref<64x128xf32, #tpu.memory_space<vmem>>, %arg12: memref<1x64xf32, #tpu.memory_space<vmem>>) attributes {dimension_semantics = [#tpu.dimension_semantics<arbitrary>], iteration_bounds = array<i64: 10>, scalar_prefetch = 0 : i64, scratch_operands = 2 : i64, tpu.core_type = #tpu.core_type<tc>, window_params = [{transform_indices = @transform_0, window_bounds = array<i64: 2, 1000, 128>}, {transform_indices = @transform_1, window_bounds = array<i64: 2, 1000, 128>}, {transform_indices = @transform_2, window_bounds = array<i64: 1000, 128>}, {pipeline_mode = #tpu.pipeline_mode<synchronous>, transform_indices = @transform_3, window_bounds = array<i64: 128, 128>}, {pipeline_mode = #tpu.pipeline_mode<synchronous>, transform_indices = @transform_4, window_bounds = array<i64: 1, 128>}, {pipeline_mode = #tpu.pipeline_mode<synchronous>, transform_indices = @transform_5, window_bounds = array<i64: 128, 128>}, {transform_indices = @transform_6, window_bounds = array<i64: 1, 1, 1000>}, {pipeline_mode = #tpu.pipeline_mode<synchronous>, transform_indices = @transform_7, window_bounds = array<i64: 64, 128>}, {pipeline_mode = #tpu.pipeline_mode<synchronous>, transform_indices = @transform_8, window_bounds = array<i64: 1, 64>}, {pipeline_mode = #tpu.pipeline_mode<synchronous>, transform_indices = @transform_9, window_bounds = array<i64: 64, 64>}]} {
    %eq3A = arith.constant 0 : i32
    %eq3A_0 = arith.cmpi eq, %arg0, %eq3A : i32
    %convert_element_type3A = arith.extui %eq3A_0 : i1 to i32
    %cond3A = arith.constant 0 : i32
    %cond3A_1 = arith.cmpi ne, %convert_element_type3A, %cond3A : i32
    scf.if %cond3A_1 {
      %broadcast_in_dim3A_77 = arith.constant 0.000000e+00 : f32
      %broadcast_in_dim3A_78 = vector.broadcast %broadcast_in_dim3A_77 : f32 to vector<64x128xf32>
      %swap3A_79 = arith.constant 0 : index
      %swap3A_80 = arith.constant 0 : index
      %swap3A_81 = vector.load %arg11[%swap3A_79, %swap3A_80] : memref<64x128xf32, #tpu.memory_space<vmem>>, vector<64x128xf32>
      tpu.vector_store %arg11[%swap3A_79, %swap3A_80], %broadcast_in_dim3A_78 {strides = array<i32>} : memref<64x128xf32, #tpu.memory_space<vmem>>, vector<64x128xf32>,
      %broadcast_in_dim3A_82 = arith.constant 0.000000e+00 : f32
      %broadcast_in_dim3A_83 = vector.broadcast %broadcast_in_dim3A_82 : f32 to vector<1x64xf32>
      %swap3A_84 = arith.constant 0 : index
      %swap3A_85 = arith.constant 0 : index
      %swap3A_86 = vector.load %arg12[%swap3A_84, %swap3A_85] : memref<1x64xf32, #tpu.memory_space<vmem>>, vector<1x64xf32>
      tpu.vector_store %arg12[%swap3A_84, %swap3A_85], %broadcast_in_dim3A_83 {strides = array<i32>} : memref<1x64xf32, #tpu.memory_space<vmem>>, vector<1x64xf32>,
    } else {
    }
    %get3A = arith.constant 0 : index
    %get3A_2 = arith.constant 0 : index
    %get3A_3 = arith.constant 0 : index
    %get3A_4 = vector.load %arg1[%get3A, %get3A_2, %get3A_3] : memref<2x1000x128xf32, #tpu.memory_space<vmem>>, vector<1x1000x128xf32>
    %get3A_5 = vector.shape_cast %get3A_4 : vector<1x1000x128xf32> to vector<1000x128xf32>
    %get3A_6 = arith.constant 1 : index
    %get3A_7 = arith.constant 0 : index
    %get3A_8 = arith.constant 0 : index
    %get3A_9 = vector.load %arg1[%get3A_6, %get3A_7, %get3A_8] : memref<2x1000x128xf32, #tpu.memory_space<vmem>>, vector<1x1000x128xf32>
    %get3A_10 = vector.shape_cast %get3A_9 : vector<1x1000x128xf32> to vector<1000x128xf32>
    %add3A = arith.addf %get3A_5, %get3A_10 : vector<1000x128xf32>
    %get3A_11 = arith.constant 0 : index
    %get3A_12 = arith.constant 0 : index
    %get3A_13 = arith.constant 0 : index
    %get3A_14 = vector.load %arg2[%get3A_11, %get3A_12, %get3A_13] : memref<2x1000x128xf32, #tpu.memory_space<vmem>>, vector<1x1000x1xf32>
    %get3A_15 = vector.shape_cast %get3A_14 : vector<1x1000x1xf32> to vector<1000xf32>
    %get3A_16 = arith.constant 1 : index
    %get3A_17 = arith.constant 0 : index
    %get3A_18 = arith.constant 0 : index
    %get3A_19 = vector.load %arg2[%get3A_16, %get3A_17, %get3A_18] : memref<2x1000x128xf32, #tpu.memory_space<vmem>>, vector<1x1000x1xf32>
    %get3A_20 = vector.shape_cast %get3A_19 : vector<1x1000x1xf32> to vector<1000xf32>
    %add3A_21 = arith.addf %get3A_15, %get3A_20 : vector<1000xf32>
    %jit3A = arith.constant 1.000000e+00 : f32
    %max3A = vector.broadcast %jit3A : f32 to vector<1000xf32>
    %max3A_22 = arith.maximumf %max3A, %add3A_21 : vector<1000xf32>
    %broadcast_in_dim3A = vector.shape_cast %max3A_22 : vector<1000xf32> to vector<1000x1xf32>
    %div3A = vector.broadcast %broadcast_in_dim3A : vector<1000x1xf32> to vector<1000x128xf32>
    %div3A_23 = arith.divf %add3A, %div3A : vector<1000x128xf32>
    %get3A_24 = arith.constant 0 : index
    %get3A_25 = arith.constant 0 : index
    %get3A_26 = vector.load %arg4[%get3A_24, %get3A_25] : memref<128x128xf32, #tpu.memory_space<vmem>>, vector<128x128xf32>
    %dot_general3A = arith.constant dense<0.000000e+00> : vector<1000x128xf32>
    %dot_general3A_27 = tpu.matmul %div3A_23, %get3A_26, %dot_general3A {dimension_numbers = #tpu.dot_dimension_numbers<[1], [1], [0], [0], [0, 0, 1, 0], [], []>, precision = #tpu.contract_precision<fp32>, transpose_lhs_hint = false} : vector<1000x128xf32>, vector<128x128xf32>, vector<1000x128xf32> -> vector<1000x128xf32>
    %get3A_28 = arith.constant 0 : index
    %get3A_29 = arith.constant 0 : index
    %get3A_30 = vector.load %arg5[%get3A_28, %get3A_29] : memref<1x128xf32, #tpu.memory_space<vmem>>, vector<1x128xf32>
    %add3A_31 = vector.broadcast %get3A_30 : vector<1x128xf32> to vector<1000x128xf32>
    %add3A_32 = arith.addf %dot_general3A_27, %add3A_31 : vector<1000x128xf32>
    %get3A_33 = arith.constant 0 : index
    %get3A_34 = arith.constant 0 : index
    %get3A_35 = vector.load %arg3[%get3A_33, %get3A_34] : memref<1000x128xf32, #tpu.memory_space<vmem>>, vector<1000x128xf32>
    %get3A_36 = arith.constant 0 : index
    %get3A_37 = arith.constant 0 : index
    %get3A_38 = vector.load %arg6[%get3A_36, %get3A_37] : memref<128x128xf32, #tpu.memory_space<vmem>>, vector<128x128xf32>
    %dot_general3A_39 = arith.constant dense<0.000000e+00> : vector<1000x128xf32>
    %dot_general3A_40 = tpu.matmul %get3A_35, %get3A_38, %dot_general3A_39 {dimension_numbers = #tpu.dot_dimension_numbers<[1], [1], [0], [0], [0, 0, 1, 0], [], []>, precision = #tpu.contract_precision<fp32>, transpose_lhs_hint = false} : vector<1000x128xf32>, vector<128x128xf32>, vector<1000x128xf32> -> vector<1000x128xf32>
    %add3A_41 = arith.addf %add3A_32, %dot_general3A_40 : vector<1000x128xf32>
    %max3A_42 = arith.constant 0.000000e+00 : f32
    %max3A_43 = vector.broadcast %max3A_42 : f32 to vector<1000x128xf32>
    %max3A_44 = arith.maximumf %add3A_41, %max3A_43 : vector<1000x128xf32>
    %get3A_45 = arith.constant 0 : index
    %get3A_46 = arith.constant 0 : index
    %get3A_47 = arith.constant 0 : index
    %get3A_48 = vector.load %arg7[%get3A_45, %get3A_46, %get3A_47] : memref<1x1x1000xi32, #tpu.memory_space<vmem>>, vector<1x1x1000xi32>
    %get3A_49 = vector.shape_cast %get3A_48 : vector<1x1x1000xi32> to vector<1000xi32>
    %iota3A = tpu.iota {dimensions = array<i32: 0>} : vector<64x1000xi32>
    %broadcast_in_dim3A_50 = vector.shape_cast %get3A_49 : vector<1000xi32> to vector<1x1000xi32>
    %eq3A_51 = vector.broadcast %broadcast_in_dim3A_50 : vector<1x1000xi32> to vector<64x1000xi32>
    %eq3A_52 = arith.cmpi eq, %eq3A_51, %iota3A : vector<64x1000xi32>
    %convert_element_type3A_53 = arith.extui %eq3A_52 : vector<64x1000xi1> to vector<64x1000xi32>
    %convert_element_type3A_54 = arith.sitofp %convert_element_type3A_53 : vector<64x1000xi32> to vector<64x1000xf32>
    %get3A_55 = arith.constant 0 : index
    %get3A_56 = arith.constant 0 : index
    %get3A_57 = vector.load %arg11[%get3A_55, %get3A_56] : memref<64x128xf32, #tpu.memory_space<vmem>>, vector<64x128xf32>
    %dot_general3A_58 = arith.constant dense<0.000000e+00> : vector<64x128xf32>
    %dot_general3A_59 = tpu.matmul %convert_element_type3A_54, %max3A_44, %dot_general3A_58 {dimension_numbers = #tpu.dot_dimension_numbers<[1], [0], [0], [1], [0, 0, 1, 1], [], []>, precision = #tpu.contract_precision<fp32>, transpose_lhs_hint = false} : vector<64x1000xf32>, vector<1000x128xf32>, vector<64x128xf32> -> vector<64x128xf32>
    %add3A_60 = arith.addf %get3A_57, %dot_general3A_59 : vector<64x128xf32>
    %swap3A = arith.constant 0 : index
    %swap3A_61 = arith.constant 0 : index
    %swap3A_62 = vector.load %arg11[%swap3A, %swap3A_61] : memref<64x128xf32, #tpu.memory_space<vmem>>, vector<64x128xf32>
    tpu.vector_store %arg11[%swap3A, %swap3A_61], %add3A_60 {strides = array<i32>} : memref<64x128xf32, #tpu.memory_space<vmem>>, vector<64x128xf32>,
    %get3A_63 = arith.constant 0 : index
    %get3A_64 = arith.constant 0 : index
    %get3A_65 = vector.load %arg12[%get3A_63, %get3A_64] : memref<1x64xf32, #tpu.memory_space<vmem>>, vector<1x64xf32>
    %reduce_sum3A = arith.constant dense<0.000000e+00> : vector<64xf32>
    %reduce_sum3A_66 = vector.multi_reduction <add>, %convert_element_type3A_54, %reduce_sum3A [1] : vector<64x1000xf32> to vector<64xf32>
    %broadcast_in_dim3A_67 = vector.shape_cast %reduce_sum3A_66 : vector<64xf32> to vector<1x64xf32>
    %add3A_68 = arith.addf %get3A_65, %broadcast_in_dim3A_67 : vector<1x64xf32>
    %swap3A_69 = arith.constant 0 : index
    %swap3A_70 = arith.constant 0 : index
    %swap3A_71 = vector.load %arg12[%swap3A_69, %swap3A_70] : memref<1x64xf32, #tpu.memory_space<vmem>>, vector<1x64xf32>
    tpu.vector_store %arg12[%swap3A_69, %swap3A_70], %add3A_68 {strides = array<i32>} : memref<1x64xf32, #tpu.memory_space<vmem>>, vector<1x64xf32>,
    %eq3A_72 = arith.constant 9 : i32
    %eq3A_73 = arith.cmpi eq, %arg0, %eq3A_72 : i32
    %convert_element_type3A_74 = arith.extui %eq3A_73 : i1 to i32
    %cond3A_75 = arith.constant 0 : i32
    %cond3A_76 = arith.cmpi ne, %convert_element_type3A_74, %cond3A_75 : i32
    scf.if %cond3A_76 {
      %get3A_77 = arith.constant 0 : index
      %get3A_78 = arith.constant 0 : index
      %get3A_79 = vector.load %arg11[%get3A_77, %get3A_78] : memref<64x128xf32, #tpu.memory_space<vmem>>, vector<64x128xf32>
      %get3A_80 = arith.constant 0 : index
      %get3A_81 = arith.constant 0 : index
      %get3A_82 = vector.load %arg12[%get3A_80, %get3A_81] : memref<1x64xf32, #tpu.memory_space<vmem>>, vector<1x64xf32>
      %get3A_83 = vector.shape_cast %get3A_82 : vector<1x64xf32> to vector<64xf32>
      %jit3A_84 = arith.constant 1.000000e+00 : f32
      %max3A_85 = vector.broadcast %jit3A_84 : f32 to vector<64xf32>
      %max3A_86 = arith.maximumf %max3A_85, %get3A_83 : vector<64xf32>
      %broadcast_in_dim3A_87 = vector.shape_cast %max3A_86 : vector<64xf32> to vector<64x1xf32>
      %div3A_88 = vector.broadcast %broadcast_in_dim3A_87 : vector<64x1xf32> to vector<64x128xf32>
      %div3A_89 = arith.divf %get3A_79, %div3A_88 : vector<64x128xf32>
      %get3A_90 = arith.constant 0 : index
      %get3A_91 = arith.constant 0 : index
      %get3A_92 = vector.load %arg8[%get3A_90, %get3A_91] : memref<64x128xf32, #tpu.memory_space<vmem>>, vector<64x128xf32>
      %dot_general3A_93 = arith.constant dense<0.000000e+00> : vector<64x64xf32>
      %dot_general3A_94 = tpu.matmul %div3A_89, %get3A_92, %dot_general3A_93 {dimension_numbers = #tpu.dot_dimension_numbers<[1], [1], [0], [0], [0, 0, 1, 0], [], []>, precision = #tpu.contract_precision<fp32>, transpose_lhs_hint = false} : vector<64x128xf32>, vector<64x128xf32>, vector<64x64xf32> -> vector<64x64xf32>
      %get3A_95 = arith.constant 0 : index
      %get3A_96 = arith.constant 0 : index
      %get3A_97 = vector.load %arg9[%get3A_95, %get3A_96] : memref<1x64xf32, #tpu.memory_space<vmem>>, vector<1x64xf32>
      %add3A_98 = vector.broadcast %get3A_97 : vector<1x64xf32> to vector<64x64xf32>
      %add3A_99 = arith.addf %dot_general3A_94, %add3A_98 : vector<64x64xf32>
      %swap3A_100 = arith.constant 0 : index
      %swap3A_101 = arith.constant 0 : index
      %swap3A_102 = vector.load %arg10[%swap3A_100, %swap3A_101] : memref<64x64xf32, #tpu.memory_space<vmem>>, vector<64x64xf32>
      tpu.vector_store %arg10[%swap3A_100, %swap3A_101], %add3A_99 {strides = array<i32>} : memref<64x64xf32, #tpu.memory_space<vmem>>, vector<64x64xf32>,
    } else {
    }
    return
  }
  func.func @transform_0(%arg0: i32) -> (i32, i32, i32) {
    %c0_i32 = arith.constant 0 : i32
    %c0_i32_0 = arith.constant 0 : i32
    %c0_i32_1 = arith.constant 0 : i32
    return %c0_i32, %arg0, %c0_i32_0 : i32, i32, i32
  }
  func.func @transform_1(%arg0: i32) -> (i32, i32, i32) {
    %c0_i32 = arith.constant 0 : i32
    %c0_i32_0 = arith.constant 0 : i32
    %c0_i32_1 = arith.constant 0 : i32
    return %c0_i32, %arg0, %c0_i32_0 : i32, i32, i32
  }
  func.func @transform_2(%arg0: i32) -> (i32, i32) {
    %c0_i32 = arith.constant 0 : i32
    %c0_i32_0 = arith.constant 0 : i32
    return %arg0, %c0_i32 : i32, i32
  }
  func.func @transform_3(%arg0: i32) -> (i32, i32) {
    %c0_i32 = arith.constant 0 : i32
    %c0_i32_0 = arith.constant 0 : i32
    %c0_i32_1 = arith.constant 0 : i32
    return %c0_i32, %c0_i32_0 : i32, i32
  }
  func.func @transform_4(%arg0: i32) -> (i32, i32) {
    %c0_i32 = arith.constant 0 : i32
    %c0_i32_0 = arith.constant 0 : i32
    %c0_i32_1 = arith.constant 0 : i32
    return %c0_i32, %c0_i32_0 : i32, i32
  }
  func.func @transform_5(%arg0: i32) -> (i32, i32) {
    %c0_i32 = arith.constant 0 : i32
    %c0_i32_0 = arith.constant 0 : i32
    %c0_i32_1 = arith.constant 0 : i32
    return %c0_i32, %c0_i32_0 : i32, i32
  }
  func.func @transform_6(%arg0: i32) -> (i32, i32, i32) {
    %c0_i32 = arith.constant 0 : i32
    %c0_i32_0 = arith.constant 0 : i32
    %c0_i32_1 = arith.constant 0 : i32
    return %arg0, %c0_i32, %c0_i32_0 : i32, i32, i32
  }
  func.func @transform_7(%arg0: i32) -> (i32, i32) {
    %c0_i32 = arith.constant 0 : i32
    %c0_i32_0 = arith.constant 0 : i32
    %c0_i32_1 = arith.constant 0 : i32
    return %c0_i32, %c0_i32_0 : i32, i32
  }
  func.func @transform_8(%arg0: i32) -> (i32, i32) {
    %c0_i32 = arith.constant 0 : i32
    %c0_i32_0 = arith.constant 0 : i32
    %c0_i32_1 = arith.constant 0 : i32
    return %c0_i32, %c0_i32_0 : i32, i32
  }
  func.func @transform_9(%arg0: i32) -> (i32, i32) {
    %c0_i32 = arith.constant 0 : i32
    %c0_i32_0 = arith.constant 0 : i32
    %c0_i32_1 = arith.constant 0 : i32
    return %c0_i32, %c0_i32_0 : i32, i32
  }
}

</mosaic_0001>

<sc_bundles>
// kernel: kernel.6.cloned.1.call-start
scs
__scs_entry_jumppad:
0x0: {  	(pc) =	sbr.rel $0x88, $3  }
0x1: {  	(tag) =	ssettag $0x0;
	lr =	simm.s32 $0x1  }
0x2: {  	[smem:$0x3F96] =	sst lr;
	_ =	strace $0xD0000000  }
0x3: {  	_ = 	snop  }
0x4: {  	_ = 	snop  }
0x5: {  	_ = 	snop  }
0x6: {  	_ = 	snop  }
0x7: {  	_ = 	snop  }
__scs_overlays_trampoline_lowered:
0x8: {  	[smem:$0x3FA5] =	sst s0  }
0x9: {  	[smem:$0x3FA6] =	sst s1  }
0xa: {  	[smem:$0x3FA7] =	sst s2  }
0xb: {  	[smem:$0x3FA8] =	sst s3  }
0xc: {  	[smem:$0x3FA9] =	sst s4  }
0xd: {  	[smem:$0x3FAA] =	sst s5  }
0xe: {  	[smem:$0x3FAB] =	sst s6  }
0xf: {  	[smem:$0x3FAC] =	sst s7  }
0x10: {  	[smem:$0x3FAD] =	sst s8  }
0x11: {  	[smem:$0x3FAE] =	sst s9;
	s0 =	simm.s32 @!p0 $0x0  }
0x12: {  	s1 =	sld [smem:$0x3F94];
	s0 =	simm.s32 @p0 $0x1  }
0x13: {  	[smem:$0x3FAF] =	sst s0;
	s0 =	simm.s32 @!p1 $0x0  }
0x14: {  	s2 =	sld [smem:$0x3F93];
	s0 =	simm.s32 @p1 $0x1  }
0x15: {  	[smem:$0x3FB0] =	sst s0;
	s0 =	simm.s32 @!p2 $0x0  }
0x16: {  	s3 =	sld [smem:$0x3FDB];
	s0 =	simm.s32 @p2 $0x1  }
0x17: {  	s4 =	simm.s32 $0x1BF5;
	[smem:$0x3FB2] =	sst s0  }
0x18: {  	s0 =	sld [smem:$0x3F95];
	_ =	swait.ge [sflag:s4], $0x0  }
0x19: {  	s7 =	sld [smem:$0x3F96]  }
0x1a: {  	s8 =	sadd.s32 $0xFFFFE003, lr  }
0x1b: {  	s9 =	sadd.s32 $0xFFFFFEF7, lr;
	s5 =	simm.s32 $0xFFFFFFFF;
	p2 =	slt.u32 s8, $0xFFFFF086  }
0x1c: {  	p1 =	slt.u32 s9, $0xF7A;
	s5 =	simm.s32 @!p2 $0x0  }
0x1d: {  	s5 =	simm.s32 @p1 $0x1;
	p0 =	seq.s32 s7, s2  }
0x1e: {  	s7 =	smul.u32 @!p0 $0xF7A, s2;
	p2 =	seq.s32 @!p0 s5, $0x0  }
0x1f: {  	s9 =	smul.u32 $0xF7A, s1;
	s8 =	simm.s32 @!p0 $0x1BF5;
	p2 =	por !p2, p0  }
0x20: {  	[sflag:s8] =	ssyncset.s32 @!p0 $0xFFFFF086;
	s6 =	sadd.s32 @!p0 s3, s7;
	s7 =	simm.s32 @!p0 $0x108  }
0x21: {  	s3 =	sadd.s32 s3, s9;
	s6 =	sadd.s32 @!p0 $0x88, s6;
	s7 =	simm.s32 @p2 $0x1082  }
0x22: {  	[simem:s7], [sflag:s8] =	dma.local @!p0 [hbm:s6], $0xF7A  }
0x23: {  	s9 =	sor.u32 $0xD0000000, s2;
	s6 =	simm.s32 $0x108;
	_ =	swait.ge @!p0 [sflag:s8], $0x0  }
0x24: {  	s3 =	sadd.s32 $0x88, s3;
	s6 =	simm.s32 @!p1 $0x1082;
	[sflag:s4] =	ssyncset.s32 $0xFFFFF086  }
0x25: {  	[simem:s6], [sflag:s4] =	dma.local [hbm:s3], $0xF7A  }
0x26: {  	[smem:$0x3F96] =	sst s1;
	(tag) =	ssettag s2;
	_ =	strace s9  }
0x27: {  	s1 =	sld [smem:$0x3FA6]  }
0x28: {  	s2 =	sld [smem:$0x3FA7]  }
0x29: {  	s4 =	sld [smem:$0x3FA9]  }
0x2a: {  	p0 =	seq.s32 s5, $0x0;
	s5 =	sld [smem:$0x3FAA]  }
0x2b: {  	s6 =	sld [smem:$0x3FAB]  }
0x2c: {  	s7 =	sld [smem:$0x3FAC]  }
0x2d: {  	s3 =	simm.s32 $0x108;
	s8 =	sld [smem:$0x3FAD]  }
0x2e: {  	s3 =	simm.s32 @!p0 $0x1082;
	s9 =	sld [smem:$0x3FAE]  }
0x2f: {  	lr =	sadd.s32 s0, s3;
	s0 =	sld [smem:$0x3FA5]  }
0x30: {  	s3 =	sld [smem:$0x3FA8]  }
0x31: {  	[smem:$0x3FB1] =	sst s10  }
0x32: {  	s10 =	sld [smem:$0x3FAF];
	_ =	sdelay $0x3  }
0x33: {  	p0 =	seq.s32 s10, $0x1;
	s10 =	sld [smem:$0x3FB1];
	_ =	sdelay $0x3  }
0x34: {  	[smem:$0x3FB1] =	sst s10  }
0x35: {  	s10 =	sld [smem:$0x3FB0];
	_ =	sdelay $0x3  }
0x36: {  	p1 =	seq.s32 s10, $0x1;
	s10 =	sld [smem:$0x3FB1];
	_ =	sdelay $0x3  }
0x37: {  	[smem:$0x3FB1] =	sst s10  }
0x38: {  	s10 =	sld [smem:$0x3FB2]  }
0x39: {  	_ = 	snop;
	(pc) =	sbr.ind lr, $3  }
0x3a: {  	_ = 	snop  }
0x3b: {  	_ = 	snop  }
0x3c: {  	p2 =	seq.s32 s10, $0x1;
	s10 =	sld [smem:$0x3FB1]  }
0x3d: {  	_ =	shalt  }
0x3e: {  	_ =	shalt  }
0x3f: {  	_ =	shalt  }
0x40: {  	_ =	shalt  }
0x41: {  	_ =	shalt  }
0x42: {  	_ =	shalt  }
0x43: {  	_ =	shalt  }
0x44: {  	_ =	shalt  }
0x45: {  	_ =	shalt  }
0x46: {  	_ =	shalt  }
0x47: {  	_ =	shalt  }
0x48: {  	_ =	shalt  }
0x49: {  	_ =	shalt  }
0x4a: {  	_ =	shalt  }
0x4b: {  	_ =	shalt  }
0x4c: {  	_ =	shalt  }
0x4d: {  	_ =	shalt  }
0x4e: {  	_ =	shalt  }
0x4f: {  	_ =	shalt  }
0x50: {  	_ =	shalt  }
0x51: {  	_ =	shalt  }
0x52: {  	_ =	shalt  }
0x53: {  	_ =	shalt  }
0x54: {  	_ =	shalt  }
0x55: {  	_ =	shalt  }
0x56: {  	_ =	shalt  }
0x57: {  	_ =	shalt  }
0x58: {  	_ =	shalt  }
0x59: {  	_ =	shalt  }
0x5a: {  	_ =	shalt  }
0x5b: {  	_ =	shalt  }
0x5c: {  	_ =	shalt  }
0x5d: {  	_ =	shalt  }
0x5e: {  	_ =	shalt  }
0x5f: {  	_ =	shalt  }
0x60: {  	_ =	shalt  }
0x61: {  	_ =	shalt  }
0x62: {  	_ =	shalt  }
0x63: {  	_ =	shalt  }
0x64: {  	_ =	shalt  }
0x65: {  	_ =	shalt  }
0x66: {  	_ =	shalt  }
0x67: {  	_ =	shalt  }
0x68: {  	_ =	shalt  }
0x69: {  	_ =	shalt  }
0x6a: {  	_ =	shalt  }
0x6b: {  	_ =	shalt  }
0x6c: {  	_ =	shalt  }
0x6d: {  	_ =	shalt  }
0x6e: {  	_ =	shalt  }
0x6f: {  	_ =	shalt  }
0x70: {  	_ =	shalt  }
0x71: {  	_ =	shalt  }
0x72: {  	_ =	shalt  }
0x73: {  	_ =	shalt  }
0x74: {  	_ =	shalt  }
0x75: {  	_ =	shalt  }
0x76: {  	_ =	shalt  }
0x77: {  	_ =	shalt  }
0x78: {  	_ =	shalt  }
0x79: {  	_ =	shalt  }
0x7a: {  	_ =	shalt  }
0x7b: {  	_ =	shalt  }
0x7c: {  	_ =	shalt  }
0x7d: {  	_ =	shalt  }
0x7e: {  	_ =	shalt  }
0x7f: {  	_ =	shalt  }
0x80: {  	_ =	shalt  }
0x81: {  	_ =	shalt  }
0x82: {  	_ =	shalt  }
0x83: {  	_ =	shalt  }
0x84: {  	_ =	shalt  }
0x85: {  	_ =	shalt  }
0x86: {  	_ =	shalt  }
0x87: {  	_ =	shalt  }
.Lfunc_end0:
.L_simem_size_0:
called_computation_lowered:
.L_overlay_start_0:
0x88: {  	s2 =	sld [smem:$0x3FD9]  }
0x89: {  	s3 =	sld [smem:$0x3FFE];
	_ =	sdelay $0x1  }
0x8a: {  	s1 =	srdreg.scid  }
0x8b: {  	s0 =	sand.u32 $0x1, s1  }
0x8c: {  	s17 =	sshll.u32 s0, $0xA;
	s2 =	sadd.s32 s3, s2  }
0x8d: {  	s2 =	sadd.s32 s2, s17  }
0x8e: {  	[smem:$0x3FBD] =	sst s2  }
0x8f: {  	_ = 	snop  }
0x90: {  	s2 =	sld [smem:$0x3FC9]  }
0x91: {  	s18 =	sld [smem:$0x3FD0];
	(tm) =	ssettm $0x1  }
0x92: {  	s4 =	sld [smem:$0x3FFB];
	_ =	sdelay $0x3  }
0x93: {  	_ =	strace s4  }
0x94: {  	s4 =	sld [smem:$0x3FFC];
	_ =	sdelay $0x3  }
0x95: {  	_ =	strace s4  }
0x96: {  	s4 =	sld [smem:$0x3FFD];
	_ =	sdelay $0x3  }
0x97: {  	_ =	strace s4  }
0x98: {  	_ =	strace $0x8FFFFFFF  }
0x99: {  	s19 =	sld [smem:$0x3FDB];
	_ =	sdelay $0x1  }
0x9a: {  	s5 =	simm.s32 $_scs_section_size  }
0x9b: {  	s6 =	simm.s32 $_size__tile_overlayer_lowered;
	s7 =	simm.s32 $_tile_overlayer_lowered  }
0x9c: {  	s22 =	simm.s32 $0x1BFF;
	s21 =	sshll.u32 s7, $0x1;
	s4 =	sadd.s32 s5, s19  }
0x9d: {  	s8 =	simm.s32 $0x0;
	s20 =	sshll.u32 s6, $0x1;
	s6 =	sadd.s32 s21, s4  }
0x9e: {  	[timem:s8], [sflag:s22] =	dma.local [hbm:s6], s20  }
0x9f: {  	_ =	swait.ge [sflag:s22], s20  }
0xa0: {  	s5 =	ssub.s32 $0x0, s20;
	[sflag:s22] =	ssyncset.done $0x0  }
0xa1: {  	[sflag:s22] =	ssyncadd.s32 s5;
	_ =	sdelay $0x1  }
0xa2: {  	s23 =	simm.s32 $0x1B8B  }
0xa3: {  	_ =	swait.ge [sflag:s23], $0x1  }
0xa4: {  	[sflag:s23] =	ssyncset.done $0x0  }
0xa5: {  	s25 =	simm.s32 $0x1B8E;
	s24 =	sld [smem:$0x3FFE];
	[sflag:s23] =	ssyncadd.s32 $0xFFFFFFFF  }
0xa6: {  	s26 =	simm.s32 $execute0_lowered;
	[smem:$0x3FD2] =	sst s25  }
0xa7: {  	s6 =	sshll.u32 s26, $0x1;
	_ =	strace $0x80000046;
	[dreg:$0x1] =	wrdreg $0xFFFFFFFF  }
0xa8: {  	s28 =	simm.s32 $_size_execute0_lowered;
	s4 =	sadd.s32 s4, s6;
	[dreg:$0x0] =	wrdreg $0x0  }
0xa9: {  	s6 =	sshll.u32 s28, $0x1;
	[dreg:$0x2] =	wrdreg s4  }
0xaa: {  	[dreg:$0x3] =	wrdreg s6  }
0xab: {  	[dreg:$0x4] =	wrdreg $0xC0  }
0xac: {  	_ =	task [dreg:s8], $0x5FFFF  }
0xad: {  	[dreg:$0x1] =	wrdreg $0xFFFFFFFF  }
0xae: {  	[dreg:$0x0] =	wrdreg $0x60  }
0xaf: {  	[dreg:$0x2] =	wrdreg s2  }
0xb0: {  	[dreg:$0x3] =	wrdreg s24  }
0xb1: {  	[dreg:$0x4] =	wrdreg s18  }
0xb2: {  	[dreg:$0x5] =	wrdreg $0xC3000  }
0xb3: {  	[dreg:$0x6] =	wrdreg $0x9  }
0xb4: {  	_ =	task.clear_ibuf [dreg:s8], $0x7FFFF;
	_ =	strace $0x90000046  }
0xb5: {  	s29 =	simm.s32 $0x9;
	_ =	strace $0x80000048  }
0xb6: {  	_ =	swait.ge [sflag:s29], $0x1  }
0xb7: {  	[sflag:s29] =	ssyncadd.s32 $0xFFFFFFFF  }
0xb8: {  	_ =	strace $0x90000048  }
0xb9: {  	_ =	sfence  }
0xba: {  	s30 =	sld [smem:$0x0];
	_ =	sdelay $0x2  }
0xbb: {  	s31 =	sshll.u32 s1, $0xD;
	s1 =	sshrl.u32 s1, $0x2  }
0xbc: {  	s3 =	sand.u32 $0x4000, s31;
	s1 =	sadd.s32 s1, s30  }
0xbd: {  	s0 =	sor.u32 s3, s0;
	s1 =	sshll.u32 s1, $0x11  }
0xbe: {  	s0 =	sor.u32 s1, s0  }
0xbf: {  	s0 =	sadd.s32 $0x8F2B, s0  }
0xc0: {  	[sflag:s0] =	ssyncadd.remote.s32 $0x1  }
0xc1: {  	_ =	sfence.sel $0xFFFF  }
0xc2: {  	[dreg:$0x0] =	wrdreg $0xFFFFFFFF;
	(pc) =	sbr.abs _section_cstart, $3  }
0xc3: {  	[dreg:$0x1] =	wrdreg $0xFFFFFFFF  }
0xc4: {  	_ =	task.clear_ibuf [dreg:s8], $0x2FFFF;
	_ =	strace $0x9FFFFFFF  }
0xc5: {  	(tm) =	ssettm $0x7FFFFFFF  }
tec
execute0_lowered:
.L_overlay_start_1:
0x0: {  	(tag) =	ssettag $0x1  }
0x1: {  	s1 =	rddreg [dreg:$0x0]  }
0x2: {  	s0 =	rddreg [dreg:$0x1]  }
0x3: {  	s3 =	rddreg [dreg:$0x2]  }
0x4: {  	s2 =	rddreg [dreg:$0x3];
	s4 =	simm.s32 $0x0  }
0x5: {  	s5 =	srdreg.scid;
	s26 =	stileid.u32;
	s18 =	simm.s32 $0x180  }
0x6: {  	s19 =	simm.s32 $0x80;
	s20 =	simm.s32 $0x200;
	s21 =	simm.s32 $0x100  }
0x7: {  	s22 =	simm.s32 $0x280;
	s28 =	simm.s32 $0x1;
	s29 =	simm.s32 $0x2  }
0x8: {  	s30 =	simm.s32 $0x4;
	s31 =	simm.s32 $0x0;
	[smem:$0x7FF] =	sst s4  }
0x9: {  	s8 =	sand.u32 $0x1, s5;
	s6 =	sshll.u32 s26, $0x1;
	s12 =	smul.u32 $0x3E800, s26  }
0xa: {  	s5 =	sadd.s32 $0x1E00, s0;
	s7 =	sadd.s32 $0x16000, s0;
	s14 =	smul.u32 $0xFA000, s26  }
0xb: {  	s15 =	sadd.s32 $0x1DE00, s0;
	p0 =	sgt.u32 s26, $0x4;
	p1 =	sgt.u32 s26, $0x1  }
0xc: {  	_ =	strace $0x80000047;
	s10 =	sor.u32 s8, s6;
	s9 =	smul.u32 $0x138800, s8  }
0xd: {  	s6 =	sadd.s32 $0xBE00, s0;
	[dreg:$0x5] =	wrdreg s15;
	s8 =	ssub.s32 $0x2, s8  }
0xe: {  	s11 =	sshll.u32 s10, $0x4;
	s23 =	sshrl.u32 s8, $0x1;
	s14 =	sshrl.u32 s14, $0x2  }
0xf: {  	s10 =	smul.u32 $0x2800, s10;
	s13 =	sadd.s32 s11, s0;
	s9 =	sadd.s32 s12, s9  }
0x10: {  	s8 =	ssub.s32 s8, s23;
	s3 =	sadd.s32 s3, s11;
	s23 =	simm.s32 $0x3  }
0x11: {  	s9 =	sshrl.u32 s9, $0x3;
	[dreg:$0x6] =	wrdreg s3;
	s24 =	sadd.s32 $0x15E00, s13  }
.Ltmp0:
0x12: {  	s3 =	sshll.u32 @!p0 s26, $0x6;
	s15 =	smax.u32 s8, $0x1;
	(pc) =	sbr.rel .LBB2_1-.Ltmp0, $4  }
0x13: {  	s26 =	simm.s32 $0x8300;
	s0 =	sadd.s32 s9, s0;
	s9 =	sadd.s32 s14, s2  }
0x14: {  	[dreg:$0x7] =	wrdreg s24;
	s16 =	sor.u32 @!p0 $0x1C04, s3;
	s25 =	sadd.s32 $0x1E600, s0  }
0x15: {  	s24 =	simm.s32 $0x300;
	s0 =	sadd.s32 $0x6C800, s0;
	[dreg:$0x8] =	wrdreg s25  }
0x16: {  	s17 =	sshrl.u32 @!p0 s9, $0x3;
	[dreg:$0x9] =	wrdreg s0;
	s25 =	simm.s32 $0x4300  }
.LBB2_10:
0x17: {  	s0 =	rddreg [dreg:$0x7]  }
0x18: {  	[tilespmem:s20], [sflag:$0x4] =	stream.linear.gather [hbm4b:s0+s4], $0x80, $0x38;
	[tilespmem:$0x1FB80] =	vst v63  }
0x19: {  	_ =	swait.ge [sflag:s30], $0x80  }
0x1a: {  	[sflag:s30] =	ssyncset.done $0x0  }
0x1b: {  	[sflag:s30] =	ssyncadd.s32 $0xFFFFFF80  }
0x1c: {  	[spmem:s2] =	stream.indirect.scatter.add.f32 [tilespmem:s24], [sflag:$0x4], $0x80, s20, s19, $0xb8;
	[tilespmem:$0x1FB80] =	vst v63  }
0x1d: {  	_ =	swait.ge [sflag:s30], $0x4000  }
0x1e: {  	[sflag:s30] =	ssyncset.done $0x0  }
0x1f: {  	[sflag:s30] =	ssyncadd.s32 $0xFFFFC000  }
0x20: {  	[bflag:$0x0] =	sbarrier.arrive $0xFFFF  }
.LBB2_12:
0x21: {  	s0 =	stileid.u32  }
0x22: {  	s0 =	sshll.u32 s0, $0x6  }
0x23: {  	s3 =	sshrl.u32 s9, $0x3;
	s8 =	rddreg [dreg:$0x9];
	s0 =	sor.u32 $0x1C04, s0  }
0x24: {  	[hbm:s8], [sflag:s0] =	dma.local [spmem:s3], $0x7D00  }
0x25: {  	_ =	swait.ge [sflag:s30], $0x7D00  }
0x26: {  	[sflag:s30] =	ssyncset.done $0x0  }
0x27: {  	[sflag:s30] =	ssyncadd.s32 $0xFFFF8300  }
.LBB2_13:
0x28: {  	s31 =	sadd.s32 $0x1, s31  }
0x29: {  	p2 =	sne.s32 s31, s15  }
.Ltmp1:
0x2a: {  	_ = 	snop;
	(pc) =	sbr.rel @!p2 .LBB2_14-.Ltmp1, $1  }
0x2b: {  	_ =	sdelay $0x3  }
.LBB2_1:
0x2c: {  	[spmem:s17], [sflag:s16] =	dma.local @!p0 [hbm:s7], $0x7D00  }
0x2d: {  	s0 =	simm.s32 @!p0 $0x4  }
0x2e: {  	s3 =	simm.s32 $0x0;
	s13 =	simm.s32 $0x80;
	_ =	swait.ge @!p0 [sflag:s0], $0x7D00  }
0x2f: {  	s8 =	sand.u32 $0x3C00, s3;
	s3 =	sand.u32 $0x380, s3;
	[sflag:s0] =	ssyncset.done @!p0 $0x0  }
0x30: {  	s14 =	sand.u32 $0x7C00, s13;
	s8 =	sadd.s32 s10, s8;
	[sflag:s0] =	ssyncadd.s32 @!p0 $0xFFFF8300  }
0x31: {  	s12 =	sor.u32 s3, s8;
	s8 =	sadd.s32 s10, s14;
	s3 =	sand.u32 $0x380, s13  }
0x32: {  	s13 =	sand.u32 $0x380, s21;
	[bflag:$0x0] =	sbarrier.arrive $0xFFFF;
	s0 =	sshrl.u32 s12, $0x3  }
0x33: {  	s3 =	sor.u32 s3, s8;
	s12 =	sand.u32 $0x7C00, s21;
	s11 =	sadd.s32 s5, s0  }
0x34: {  	[tilespmem:s4], [sflag:$0x3] =	stream.linear.gather [hbm4b:s11+s4], $0x80, $0x38;
	[tilespmem:$0x1FB80] =	vst v63  }
0x35: {  	s0 =	sadd.s32 s6, s0;
	s3 =	sshrl.u32 s3, $0x3;
	s8 =	sadd.s32 s10, s12  }
0x36: {  	[tilespmem:s18], [sflag:$0x3] =	stream.linear.gather [hbm4b:s0+s4], $0x80, $0x38;
	[tilespmem:$0x1FB80] =	vst v63  }
0x37: {  	s14 =	sadd.s32 s5, s3;
	s8 =	sor.u32 s13, s8  }
0x38: {  	[tilespmem:s19], [sflag:$0x3] =	stream.linear.gather [hbm4b:s14+s4], $0x80, $0x38;
	[tilespmem:$0x1FB80] =	vst v63  }
0x39: {  	s3 =	sadd.s32 s6, s3;
	s8 =	sshrl.u32 s8, $0x3  }
0x3a: {  	[tilespmem:s20], [sflag:$0x3] =	stream.linear.gather [hbm4b:s3+s4], $0x80, $0x38;
	[tilespmem:$0x1FB80] =	vst v63  }
0x3b: {  	s11 =	sadd.s32 s5, s8  }
0x3c: {  	[tilespmem:s21], [sflag:$0x3] =	stream.linear.gather [hbm4b:s11+s4], $0x80, $0x38;
	[tilespmem:$0x1FB80] =	vst v63  }
0x3d: {  	s12 =	sadd.s32 s6, s8  }
0x3e: {  	[tilespmem:s22], [sflag:$0x3] =	stream.linear.gather [hbm4b:s12+s4], $0x80, $0x38;
	[tilespmem:$0x1FB80] =	vst v63  }
0x3f: {  	_ =	swait.ge [sflag:s23], $0x80  }
0x40: {  	[sflag:s23] =	ssyncset.done $0x0  }
0x41: {  	[sflag:s23] =	ssyncadd.s32 $0xFFFFFF80  }
0x42: {  	[tilespmem:s24], [sflag:$0x1] =	stream.indirect.gather [hbm4b:s1+s19], $0x80, s4, s19, $0xb8;
	[tilespmem:$0x1FB80] =	vst v63  }
0x43: {  	_ =	swait.ge [sflag:s23], $0x80  }
0x44: {  	[sflag:s23] =	ssyncset.done $0x0  }
0x45: {  	[sflag:s23] =	ssyncadd.s32 $0xFFFFFF80  }
0x46: {  	[tilespmem:s25], [sflag:$0x1] =	stream.indirect.gather [hbm4b:s1+s19], $0x80, s19, s19, $0xb8;
	[tilespmem:$0x1FB80] =	vst v63  }
0x47: {  	_ =	swait.ge [sflag:s23], $0x80  }
0x48: {  	[sflag:s23] =	ssyncset.done $0x0  }
0x49: {  	[sflag:s23] =	ssyncadd.s32 $0xFFFFFF80  }
0x4a: {  	[tilespmem:s26], [sflag:$0x1] =	stream.indirect.gather [hbm4b:s1+s19], $0x80, s21, s19, $0xb8;
	[tilespmem:$0x1FB80] =	vst v63  }
0x4b: {  	_ =	swait.ge [sflag:s23], $0x80  }
0x4c: {  	[sflag:s23] =	ssyncset.done $0x0  }
0x4d: {  	[sflag:s23] =	ssyncadd.s32 $0xFFFFFF80  }
0x4e: {  	_ =	swait.ge [sflag:s28], $0x4000  }
0x4f: {  	[sflag:s28] =	ssyncset.done $0x0  }
0x50: {  	[sflag:s28] =	ssyncadd.s32 $0xFFFFC000  }
0x51: {  	[spmem:s2] =	stream.indirect.scatter.add.f32 [tilespmem:s24], [sflag:$0x2], $0x80, s18, s19, $0xb8;
	[tilespmem:$0x1FB80] =	vst v63  }
0x52: {  	_ =	swait.ge [sflag:s23], $0x80  }
0x53: {  	[sflag:s23] =	ssyncset.done $0x0  }
0x54: {  	[sflag:s23] =	ssyncadd.s32 $0xFFFFFF80  }
0x55: {  	_ =	swait.ge [sflag:s28], $0x4000  }
0x56: {  	[sflag:s28] =	ssyncset.done $0x0  }
0x57: {  	[sflag:s28] =	ssyncadd.s32 $0xFFFFC000  }
0x58: {  	[spmem:s2] =	stream.indirect.scatter.add.f32 [tilespmem:s25], [sflag:$0x2], $0x80, s20, s19, $0xb8;
	[tilespmem:$0x1FB80] =	vst v63  }
0x59: {  	_ =	swait.ge [sflag:s23], $0x80  }
0x5a: {  	[sflag:s23] =	ssyncset.done $0x0  }
0x5b: {  	[sflag:s23] =	ssyncadd.s32 $0xFFFFFF80  }
0x5c: {  	_ =	swait.ge [sflag:s28], $0x4000  }
0x5d: {  	[sflag:s28] =	ssyncset.done $0x0  }
0x5e: {  	[sflag:s28] =	ssyncadd.s32 $0xFFFFC000  }
0x5f: {  	[spmem:s2] =	stream.indirect.scatter.add.f32 [tilespmem:s26], [sflag:$0x2], $0x80, s22, s19, $0xb8;
	[tilespmem:$0x1FB80] =	vst v63  }
0x60: {  	s13 =	simm.s32 $0x180;
	_ =	swait.ge [sflag:s29], $0x4000  }
0x61: {  	s0 =	simm.s32 $0x280;
	s14 =	sand.u32 $0x3C00, s13;
	[sflag:s29] =	ssyncset.done $0x0  }
0x62: {  	s8 =	sadd.s32 s10, s14;
	s3 =	sand.u32 $0x380, s13;
	[sflag:s29] =	ssyncadd.s32 $0xFFFFC000  }
0x63: {  	s14 =	simm.s32 $0x200;
	s3 =	sor.u32 s3, s8;
	_ =	swait.ge [sflag:s29], $0x4000  }
0x64: {  	s11 =	simm.s32 $0x400;
	s13 =	sshrl.u32 s3, $0x3;
	[sflag:s29] =	ssyncset.done $0x0  }
.LBB2_2:
0x65: {  	s3 =	sadd.s32 s5, s13  }
0x66: {  	s8 =	sand.u32 $0x7C00, s14;
	[sflag:s29] =	ssyncadd.s32 $0xFFFFC000;
	s12 =	smov.u32 s11  }
0x67: {  	s14 =	sand.u32 $0x380, s14;
	s8 =	sadd.s32 s10, s8;
	_ =	swait.ge [sflag:s29], $0x4000  }
0x68: {  	s13 =	sadd.s32 s6, s13;
	s8 =	sor.u32 s14, s8;
	[sflag:s29] =	ssyncset.done $0x0  }
0x69: {  	s14 =	sand.u32 $0x7C00, s0;
	s8 =	sshrl.u32 s8, $0x3;
	[sflag:s29] =	ssyncadd.s32 $0xFFFFC000  }
0x6a: {  	[tilespmem:s4], [sflag:$0x3] =	stream.linear.gather [hbm4b:s3+s4], $0x80, $0x38;
	[tilespmem:$0x1FB80] =	vst v63  }
0x6b: {  	s0 =	sand.u32 $0x380, s0;
	s14 =	sadd.s32 s10, s14;
	s3 =	sadd.s32 s5, s8  }
0x6c: {  	[tilespmem:s18], [sflag:$0x3] =	stream.linear.gather [hbm4b:s13+s4], $0x80, $0x38;
	[tilespmem:$0x1FB80] =	vst v63  }
0x6d: {  	p2 =	sne.s32 s11, $0x2680;
	s11 =	sadd.s32 $0x180, s11;
	s0 =	sor.u32 s0, s14  }
0x6e: {  	[tilespmem:s19], [sflag:$0x3] =	stream.linear.gather [hbm4b:s3+s4], $0x80, $0x38;
	[tilespmem:$0x1FB80] =	vst v63  }
0x6f: {  	s3 =	sadd.s32 s6, s8;
	s8 =	sshrl.u32 s0, $0x3;
	s0 =	smov.u32 s12  }
0x70: {  	[tilespmem:s20], [sflag:$0x3] =	stream.linear.gather [hbm4b:s3+s4], $0x80, $0x38;
	[tilespmem:$0x1FB80] =	vst v63  }
0x71: {  	s3 =	sadd.s32 s5, s8;
	s8 =	sadd.s32 s6, s8  }
0x72: {  	[tilespmem:s21], [sflag:$0x3] =	stream.linear.gather [hbm4b:s3+s4], $0x80, $0x38;
	[tilespmem:$0x1FB80] =	vst v63  }
0x73: {  	_ = 	snop  }
0x74: {  	[tilespmem:s22], [sflag:$0x3] =	stream.linear.gather [hbm4b:s8+s4], $0x80, $0x38;
	[tilespmem:$0x1FB80] =	vst v63  }
0x75: {  	_ =	swait.ge [sflag:s23], $0x80  }
0x76: {  	[sflag:s23] =	ssyncset.done $0x0  }
0x77: {  	[sflag:s23] =	ssyncadd.s32 $0xFFFFFF80  }
0x78: {  	[tilespmem:s24], [sflag:$0x1] =	stream.indirect.gather [hbm4b:s1+s19], $0x80, s4, s19, $0xb8;
	[tilespmem:$0x1FB80] =	vst v63  }
0x79: {  	_ =	swait.ge [sflag:s23], $0x80  }
0x7a: {  	[sflag:s23] =	ssyncset.done $0x0  }
0x7b: {  	[sflag:s23] =	ssyncadd.s32 $0xFFFFFF80  }
0x7c: {  	[tilespmem:s25], [sflag:$0x1] =	stream.indirect.gather [hbm4b:s1+s19], $0x80, s19, s19, $0xb8;
	[tilespmem:$0x1FB80] =	vst v63  }
0x7d: {  	_ =	swait.ge [sflag:s23], $0x80  }
0x7e: {  	[sflag:s23] =	ssyncset.done $0x0  }
0x7f: {  	[sflag:s23] =	ssyncadd.s32 $0xFFFFFF80  }
0x80: {  	[tilespmem:s26], [sflag:$0x1] =	stream.indirect.gather [hbm4b:s1+s19], $0x80, s21, s19, $0xb8;
	[tilespmem:$0x1FB80] =	vst v63  }
0x81: {  	_ =	swait.ge [sflag:s23], $0x80  }
0x82: {  	[sflag:s23] =	ssyncset.done $0x0  }
0x83: {  	[sflag:s23] =	ssyncadd.s32 $0xFFFFFF80  }
0x84: {  	_ =	swait.ge [sflag:s28], $0x4000  }
0x85: {  	[sflag:s28] =	ssyncset.done $0x0  }
0x86: {  	[sflag:s28] =	ssyncadd.s32 $0xFFFFC000  }
0x87: {  	[spmem:s2] =	stream.indirect.scatter.add.f32 [tilespmem:s24], [sflag:$0x2], $0x80, s18, s19, $0xb8;
	[tilespmem:$0x1FB80] =	vst v63  }
0x88: {  	_ =	swait.ge [sflag:s23], $0x80  }
0x89: {  	[sflag:s23] =	ssyncset.done $0x0  }
0x8a: {  	[sflag:s23] =	ssyncadd.s32 $0xFFFFFF80  }
0x8b: {  	_ =	swait.ge [sflag:s28], $0x4000  }
0x8c: {  	[sflag:s28] =	ssyncset.done $0x0  }
0x8d: {  	[sflag:s28] =	ssyncadd.s32 $0xFFFFC000  }
0x8e: {  	[spmem:s2] =	stream.indirect.scatter.add.f32 [tilespmem:s25], [sflag:$0x2], $0x80, s20, s19, $0xb8;
	[tilespmem:$0x1FB80] =	vst v63  }
0x8f: {  	_ =	swait.ge [sflag:s23], $0x80  }
0x90: {  	[sflag:s23] =	ssyncset.done $0x0  }
0x91: {  	[sflag:s23] =	ssyncadd.s32 $0xFFFFFF80  }
0x92: {  	_ =	swait.ge [sflag:s28], $0x4000  }
0x93: {  	[sflag:s28] =	ssyncset.done $0x0  }
0x94: {  	[sflag:s28] =	ssyncadd.s32 $0xFFFFC000  }
0x95: {  	[spmem:s2] =	stream.indirect.scatter.add.f32 [tilespmem:s26], [sflag:$0x2], $0x80, s22, s19, $0xb8;
	[tilespmem:$0x1FB80] =	vst v63  }
.Ltmp2:
0x96: {  	s3 =	sadd.s32 $0xFFFFFF00, s0;
	_ =	swait.ge [sflag:s29], $0x4000;
	(pc) =	sbr.rel @p2 .LBB2_2-.Ltmp2, $4  }
0x97: {  	s8 =	sand.u32 $0x3C00, s3;
	s3 =	sand.u32 $0x380, s3;
	[sflag:s29] =	ssyncset.done $0x0  }
0x98: {  	s8 =	sadd.s32 s10, s8;
	[sflag:s29] =	ssyncadd.s32 $0xFFFFC000  }
0x99: {  	s3 =	sor.u32 s3, s8;
	_ =	swait.ge [sflag:s29], $0x4000  }
0x9a: {  	s14 =	sadd.s32 $0xFFFFFF80, s0;
	s13 =	sshrl.u32 s3, $0x3;
	[sflag:s29] =	ssyncset.done $0x0  }
0x9b: {  	s3 =	sand.u32 $0x7C00, s14;
	[sflag:s29] =	ssyncadd.s32 $0xFFFFC000  }
0x9c: {  	s8 =	sadd.s32 s5, s13;
	s11 =	sand.u32 $0x380, s14;
	_ =	swait.ge [sflag:s29], $0x4000  }
0x9d: {  	s12 =	sadd.s32 s6, s13;
	s3 =	sadd.s32 s10, s3;
	[sflag:s29] =	ssyncset.done $0x0  }
0x9e: {  	s13 =	sand.u32 $0x7C00, s0;
	s3 =	sor.u32 s11, s3;
	[sflag:s29] =	ssyncadd.s32 $0xFFFFC000  }
0x9f: {  	[tilespmem:s4], [sflag:$0x3] =	stream.linear.gather [hbm4b:s8+s4], $0x80, $0x38;
	[tilespmem:$0x1FB80] =	vst v63  }
0xa0: {  	s14 =	sadd.s32 s10, s13;
	s11 =	sand.u32 $0x380, s0;
	s3 =	sshrl.u32 s3, $0x3  }
0xa1: {  	[tilespmem:s18], [sflag:$0x3] =	stream.linear.gather [hbm4b:s12+s4], $0x80, $0x38;
	[tilespmem:$0x1FB80] =	vst v63  }
0xa2: {  	s0 =	sor.u32 s11, s14;
	s13 =	sadd.s32 s5, s3  }
0xa3: {  	[tilespmem:s19], [sflag:$0x3] =	stream.linear.gather [hbm4b:s13+s4], $0x80, $0x38;
	[tilespmem:$0x1FB80] =	vst v63  }
0xa4: {  	s3 =	sadd.s32 s6, s3;
	s0 =	sshrl.u32 s0, $0x3  }
0xa5: {  	[tilespmem:s20], [sflag:$0x3] =	stream.linear.gather [hbm4b:s3+s4], $0x80, $0x38;
	[tilespmem:$0x1FB80] =	vst v63  }
0xa6: {  	s14 =	sadd.s32 s5, s0  }
0xa7: {  	[tilespmem:s21], [sflag:$0x3] =	stream.linear.gather [hbm4b:s14+s4], $0x80, $0x38;
	[tilespmem:$0x1FB80] =	vst v63  }
0xa8: {  	s0 =	sadd.s32 s6, s0  }
0xa9: {  	[tilespmem:s22], [sflag:$0x3] =	stream.linear.gather [hbm4b:s0+s4], $0x80, $0x38;
	[tilespmem:$0x1FB80] =	vst v63  }
0xaa: {  	_ =	swait.ge [sflag:s23], $0x80  }
0xab: {  	[sflag:s23] =	ssyncset.done $0x0  }
0xac: {  	[sflag:s23] =	ssyncadd.s32 $0xFFFFFF80  }
0xad: {  	[tilespmem:s24], [sflag:$0x1] =	stream.indirect.gather [hbm4b:s1+s19], $0x80, s4, s19, $0xb8;
	[tilespmem:$0x1FB80] =	vst v63  }
0xae: {  	_ =	swait.ge [sflag:s23], $0x80  }
0xaf: {  	[sflag:s23] =	ssyncset.done $0x0  }
0xb0: {  	[sflag:s23] =	ssyncadd.s32 $0xFFFFFF80  }
0xb1: {  	[tilespmem:s25], [sflag:$0x1] =	stream.indirect.gather [hbm4b:s1+s19], $0x80, s19, s19, $0xb8;
	[tilespmem:$0x1FB80] =	vst v63  }
0xb2: {  	_ =	swait.ge [sflag:s23], $0x80  }
0xb3: {  	[sflag:s23] =	ssyncset.done $0x0  }
0xb4: {  	[sflag:s23] =	ssyncadd.s32 $0xFFFFFF80  }
0xb5: {  	[tilespmem:s26], [sflag:$0x1] =	stream.indirect.gather [hbm4b:s1+s19], $0x80, s21, s19, $0xb8;
	[tilespmem:$0x1FB80] =	vst v63  }
0xb6: {  	_ =	swait.ge [sflag:s23], $0x80  }
0xb7: {  	[sflag:s23] =	ssyncset.done $0x0  }
0xb8: {  	[sflag:s23] =	ssyncadd.s32 $0xFFFFFF80  }
0xb9: {  	_ =	swait.ge [sflag:s28], $0x4000  }
0xba: {  	[sflag:s28] =	ssyncset.done $0x0  }
0xbb: {  	[sflag:s28] =	ssyncadd.s32 $0xFFFFC000  }
0xbc: {  	[spmem:s2] =	stream.indirect.scatter.add.f32 [tilespmem:s24], [sflag:$0x2], $0x80, s18, s19, $0xb8;
	[tilespmem:$0x1FB80] =	vst v63  }
0xbd: {  	_ =	swait.ge [sflag:s23], $0x80  }
0xbe: {  	[sflag:s23] =	ssyncset.done $0x0  }
0xbf: {  	[sflag:s23] =	ssyncadd.s32 $0xFFFFFF80  }
0xc0: {  	_ =	swait.ge [sflag:s28], $0x4000  }
0xc1: {  	[sflag:s28] =	ssyncset.done $0x0  }
0xc2: {  	[sflag:s28] =	ssyncadd.s32 $0xFFFFC000  }
0xc3: {  	[spmem:s2] =	stream.indirect.scatter.add.f32 [tilespmem:s25], [sflag:$0x2], $0x80, s20, s19, $0xb8;
	[tilespmem:$0x1FB80] =	vst v63  }
0xc4: {  	_ =	swait.ge [sflag:s23], $0x80  }
0xc5: {  	[sflag:s23] =	ssyncset.done $0x0  }
0xc6: {  	[sflag:s23] =	ssyncadd.s32 $0xFFFFFF80  }
0xc7: {  	_ =	swait.ge [sflag:s28], $0x4000  }
0xc8: {  	[sflag:s28] =	ssyncset.done $0x0  }
0xc9: {  	[sflag:s28] =	ssyncadd.s32 $0xFFFFC000  }
0xca: {  	[spmem:s2] =	stream.indirect.scatter.add.f32 [tilespmem:s26], [sflag:$0x2], $0x80, s22, s19, $0xb8;
	[tilespmem:$0x1FB80] =	vst v63  }
0xcb: {  	_ =	swait.ge [sflag:s29], $0x4000  }
0xcc: {  	[sflag:s29] =	ssyncset.done $0x0  }
0xcd: {  	[sflag:s29] =	ssyncadd.s32 $0xFFFFC000  }
0xce: {  	_ =	swait.ge [sflag:s29], $0x4000  }
.Ltmp3:
0xcf: {  	[sflag:s29] =	ssyncset.done $0x0;
	(pc) =	sbr.rel @p1 .LBB2_5-.Ltmp3, $4  }
0xd0: {  	[sflag:s29] =	ssyncadd.s32 $0xFFFFC000  }
0xd1: {  	_ =	swait.ge [sflag:s29], $0x4000  }
0xd2: {  	[sflag:s29] =	ssyncset.done $0x0  }
0xd3: {  	[sflag:s29] =	ssyncadd.s32 $0xFFFFC000  }
0xd4: {  	s0 =	rddreg [dreg:$0x6]  }
0xd5: {  	[tilespmem:s18], [sflag:$0x4] =	stream.linear.gather [hbm4b:s0+s4], $0x80, $0x38;
	[tilespmem:$0x1FB80] =	vst v63  }
0xd6: {  	_ =	swait.ge [sflag:s30], $0x80  }
0xd7: {  	[sflag:s30] =	ssyncset.done $0x0  }
0xd8: {  	s14 =	rddreg [dreg:$0x7];
	[sflag:s30] =	ssyncadd.s32 $0xFFFFFF80  }
0xd9: {  	[tilespmem:s20], [sflag:$0x4] =	stream.linear.gather [hbm4b:s14+s4], $0x80, $0x38;
	[tilespmem:$0x1FB80] =	vst v63  }
0xda: {  	_ =	swait.ge [sflag:s30], $0x80  }
0xdb: {  	[sflag:s30] =	ssyncset.done $0x0  }
0xdc: {  	[sflag:s30] =	ssyncadd.s32 $0xFFFFFF80  }
0xdd: {  	[tilespmem:s24], [sflag:$0x1] =	stream.indirect.gather [hbm4b:s1+s19], $0x80, s18, s19, $0xb8;
	[tilespmem:$0x1FB80] =	vst v63  }
0xde: {  	_ =	swait.ge [sflag:s28], $0x4000  }
0xdf: {  	[sflag:s28] =	ssyncset.done $0x0  }
0xe0: {  	[sflag:s28] =	ssyncadd.s32 $0xFFFFC000  }
0xe1: {  	[spmem:s2] =	stream.indirect.scatter.add.f32 [tilespmem:s24], [sflag:$0x4], $0x80, s20, s19, $0xb8;
	[tilespmem:$0x1FB80] =	vst v63  }
.Ltmp4:
0xe2: {  	_ =	swait.ge [sflag:s30], $0x4000;
	(pc) =	sbr.rel .LBB2_6-.Ltmp4, $3  }
0xe3: {  	[sflag:s30] =	ssyncset.done $0x0  }
0xe4: {  	[sflag:s30] =	ssyncadd.s32 $0xFFFFC000  }
0xe5: {  	[bflag:$0x0] =	sbarrier.arrive $0xFFFF;
	_ =	sdelay $0x1  }
.LBB2_5:
.Ltmp5:
0xe6: {  	(pc) =	sbr.rel @p0 .LBB2_7-.Ltmp5, $2  }
0xe7: {  	_ =	sdelay $0x1  }
0xe8: {  	[bflag:$0x0] =	sbarrier.arrive $0xFFFF;
	_ =	sdelay $0x1  }
.LBB2_6:
0xe9: {  	s0 =	stileid.u32  }
0xea: {  	s0 =	sshll.u32 s0, $0x6  }
0xeb: {  	s3 =	sshrl.u32 s9, $0x3;
	s8 =	rddreg [dreg:$0x8];
	s0 =	sor.u32 $0x1C04, s0  }
0xec: {  	[hbm:s8], [sflag:s0] =	dma.local [spmem:s3], $0x7D00  }
0xed: {  	_ =	swait.ge [sflag:s30], $0x7D00  }
0xee: {  	[sflag:s30] =	ssyncset.done $0x0  }
0xef: {  	[sflag:s30] =	ssyncadd.s32 $0xFFFF8300  }
.LBB2_7:
0xf0: {  	[bflag:$0x0] =	sbarrier.arrive $0xFFFF  }
0xf1: {  	s0 =	rddreg [dreg:$0x5]  }
0xf2: {  	[tilespmem:s24], [sflag:$0x4] =	stream.linear.gather [hbm4b:s0+s4], $0x4000, $0x38;
	[tilespmem:$0x1FB80] =	vst v63  }
0xf3: {  	s13 =	simm.s32 $0x0;
	_ =	swait.ge [sflag:s30], $0x4000  }
0xf4: {  	s3 =	simm.s32 $0x100;
	s11 =	simm.s32 $0x80;
	[sflag:s30] =	ssyncset.done $0x0  }
0xf5: {  	s8 =	sand.u32 $0x3C00, s13;
	s0 =	simm.s32 @!p0 $0x4;
	[sflag:s30] =	ssyncadd.s32 $0xFFFFC000  }
0xf6: {  	[spmem:s17], [sflag:s16] =	dma.local @!p0 [hbm:s7], $0x7D00  }
0xf7: {  	s12 =	sand.u32 $0x380, s3;
	s14 =	sand.u32 $0x7C00, s11;
	_ =	swait.ge @!p0 [sflag:s0], $0x7D00  }
0xf8: {  	s11 =	sand.u32 $0x380, s11;
	s3 =	sand.u32 $0x7C00, s3;
	[sflag:s0] =	ssyncset.done @!p0 $0x0  }
0xf9: {  	s8 =	sadd.s32 s10, s8;
	[sflag:s0] =	ssyncadd.s32 @!p0 $0xFFFF8300;
	s0 =	sand.u32 $0x380, s13  }
0xfa: {  	s3 =	sadd.s32 s10, s3;
	s0 =	sor.u32 s0, s8;
	s8 =	sadd.s32 s10, s14  }
0xfb: {  	s3 =	sor.u32 s12, s3;
	s0 =	sshrl.u32 s0, $0x3;
	s8 =	sor.u32 s11, s8  }
0xfc: {  	[bflag:$0x0] =	sbarrier.arrive $0xFFFF;
	s0 =	sadd.s32 s6, s0;
	s8 =	sshrl.u32 s8, $0x3  }
0xfd: {  	[tilespmem:s18], [sflag:$0x3] =	stream.linear.gather [hbm4b:s0+s4], $0x80, $0x38;
	[tilespmem:$0x1FB80] =	vst v63  }
0xfe: {  	s3 =	sshrl.u32 s3, $0x3;
	s8 =	sadd.s32 s6, s8  }
0xff: {  	[tilespmem:s20], [sflag:$0x3] =	stream.linear.gather [hbm4b:s8+s4], $0x80, $0x38;
	[tilespmem:$0x1FB80] =	vst v63  }
0x100: {  	s11 =	sadd.s32 s6, s3  }
0x101: {  	[tilespmem:s22], [sflag:$0x3] =	stream.linear.gather [hbm4b:s11+s4], $0x80, $0x38;
	[tilespmem:$0x1FB80] =	vst v63  }
0x102: {  	_ =	swait.ge [sflag:s23], $0x80  }
0x103: {  	[sflag:s23] =	ssyncset.done $0x0  }
0x104: {  	[sflag:s23] =	ssyncadd.s32 $0xFFFFFF80  }
0x105: {  	[spmem:s2] =	stream.indirect.scatter.add.f32 [tilespmem:s24], [sflag:$0x2], $0x80, s18, s19, $0xb8;
	[tilespmem:$0x1FB80] =	vst v63  }
0x106: {  	_ =	swait.ge [sflag:s23], $0x80  }
0x107: {  	[sflag:s23] =	ssyncset.done $0x0  }
0x108: {  	[sflag:s23] =	ssyncadd.s32 $0xFFFFFF80  }
0x109: {  	[spmem:s2] =	stream.indirect.scatter.add.f32 [tilespmem:s24], [sflag:$0x2], $0x80, s20, s19, $0xb8;
	[tilespmem:$0x1FB80] =	vst v63  }
0x10a: {  	_ =	swait.ge [sflag:s23], $0x80  }
0x10b: {  	[sflag:s23] =	ssyncset.done $0x0  }
0x10c: {  	s14 =	simm.s32 $0x200;
	s3 =	simm.s32 $0x180;
	[sflag:s23] =	ssyncadd.s32 $0xFFFFFF80  }
0x10d: {  	[spmem:s2] =	stream.indirect.scatter.add.f32 [tilespmem:s24], [sflag:$0x2], $0x80, s22, s19, $0xb8;
	[tilespmem:$0x1FB80] =	vst v63  }
0x10e: {  	s12 =	sand.u32 $0x3C00, s3;
	s3 =	sand.u32 $0x380, s3;
	_ =	swait.ge [sflag:s29], $0x4000  }
0x10f: {  	s0 =	simm.s32 $0x400;
	s8 =	sadd.s32 s10, s12;
	[sflag:s29] =	ssyncset.done $0x0  }
0x110: {  	s12 =	sand.u32 $0x7C00, s14;
	s3 =	sor.u32 s3, s8;
	[sflag:s29] =	ssyncadd.s32 $0xFFFFC000  }
0x111: {  	s11 =	simm.s32 $0x280;
	s8 =	sshrl.u32 s3, $0x3;
	_ =	swait.ge [sflag:s29], $0x4000  }
0x112: {  	s3 =	sadd.s32 s10, s12;
	s13 =	sand.u32 $0x380, s11;
	[sflag:s29] =	ssyncset.done $0x0  }
.LBB2_8:
0x113: {  	s8 =	sadd.s32 s6, s8  }
0x114: {  	s12 =	sand.u32 $0x380, s14;
	[sflag:s29] =	ssyncadd.s32 $0xFFFFC000;
	s14 =	smov.u32 s0  }
0x115: {  	s11 =	sand.u32 $0x7C00, s11;
	s3 =	sor.u32 s12, s3;
	_ =	swait.ge [sflag:s29], $0x4000  }
0x116: {  	s11 =	sadd.s32 s10, s11;
	s3 =	sshrl.u32 s3, $0x3;
	[sflag:s29] =	ssyncset.done $0x0  }
0x117: {  	s11 =	sor.u32 s13, s11;
	s3 =	sadd.s32 s6, s3;
	[sflag:s29] =	ssyncadd.s32 $0xFFFFC000  }
0x118: {  	[tilespmem:s18], [sflag:$0x3] =	stream.linear.gather [hbm4b:s8+s4], $0x80, $0x38;
	[tilespmem:$0x1FB80] =	vst v63  }
0x119: {  	p2 =	sne.s32 s0, $0x2680;
	s0 =	sadd.s32 $0x180, s0;
	s8 =	sshrl.u32 s11, $0x3  }
0x11a: {  	[tilespmem:s20], [sflag:$0x3] =	stream.linear.gather [hbm4b:s3+s4], $0x80, $0x38;
	[tilespmem:$0x1FB80] =	vst v63  }
0x11b: {  	s11 =	smov.u32 s14;
	s3 =	sadd.s32 s6, s8  }
0x11c: {  	[tilespmem:s22], [sflag:$0x3] =	stream.linear.gather [hbm4b:s3+s4], $0x80, $0x38;
	[tilespmem:$0x1FB80] =	vst v63  }
0x11d: {  	_ =	swait.ge [sflag:s23], $0x80  }
0x11e: {  	[sflag:s23] =	ssyncset.done $0x0  }
0x11f: {  	[sflag:s23] =	ssyncadd.s32 $0xFFFFFF80  }
0x120: {  	[spmem:s2] =	stream.indirect.scatter.add.f32 [tilespmem:s24], [sflag:$0x2], $0x80, s18, s19, $0xb8;
	[tilespmem:$0x1FB80] =	vst v63  }
0x121: {  	_ =	swait.ge [sflag:s23], $0x80  }
0x122: {  	[sflag:s23] =	ssyncset.done $0x0  }
0x123: {  	[sflag:s23] =	ssyncadd.s32 $0xFFFFFF80  }
0x124: {  	[spmem:s2] =	stream.indirect.scatter.add.f32 [tilespmem:s24], [sflag:$0x2], $0x80, s20, s19, $0xb8;
	[tilespmem:$0x1FB80] =	vst v63  }
0x125: {  	_ =	swait.ge [sflag:s23], $0x80  }
0x126: {  	[sflag:s23] =	ssyncset.done $0x0  }
0x127: {  	s13 =	sand.u32 $0x380, s11;
	[sflag:s23] =	ssyncadd.s32 $0xFFFFFF80  }
0x128: {  	[spmem:s2] =	stream.indirect.scatter.add.f32 [tilespmem:s24], [sflag:$0x2], $0x80, s22, s19, $0xb8;
	[tilespmem:$0x1FB80] =	vst v63  }
.Ltmp6:
0x129: {  	s3 =	sadd.s32 $0xFFFFFF00, s11;
	_ =	swait.ge [sflag:s29], $0x4000;
	(pc) =	sbr.rel @p2 .LBB2_8-.Ltmp6, $4  }
0x12a: {  	s14 =	sadd.s32 $0xFFFFFF80, s11;
	s8 =	sand.u32 $0x3C00, s3;
	[sflag:s29] =	ssyncset.done $0x0  }
0x12b: {  	s3 =	sand.u32 $0x380, s3;
	s8 =	sadd.s32 s10, s8;
	[sflag:s29] =	ssyncadd.s32 $0xFFFFC000  }
0x12c: {  	s12 =	sand.u32 $0x7C00, s14;
	s3 =	sor.u32 s3, s8;
	_ =	swait.ge [sflag:s29], $0x4000  }
0x12d: {  	s8 =	sshrl.u32 s3, $0x3;
	s3 =	sadd.s32 s10, s12;
	[sflag:s29] =	ssyncset.done $0x0  }
0x12e: {  	s0 =	sadd.s32 s6, s8;
	[sflag:s29] =	ssyncadd.s32 $0xFFFFC000  }
0x12f: {  	s14 =	sand.u32 $0x380, s14;
	s11 =	sand.u32 $0x7C00, s11;
	_ =	swait.ge [sflag:s29], $0x4000  }
0x130: {  	s3 =	sor.u32 s14, s3;
	s11 =	sadd.s32 s10, s11;
	[sflag:s29] =	ssyncset.done $0x0  }
0x131: {  	s3 =	sshrl.u32 s3, $0x3;
	s8 =	sor.u32 s13, s11;
	[sflag:s29] =	ssyncadd.s32 $0xFFFFC000  }
0x132: {  	[tilespmem:s18], [sflag:$0x3] =	stream.linear.gather [hbm4b:s0+s4], $0x80, $0x38;
	[tilespmem:$0x1FB80] =	vst v63  }
0x133: {  	s12 =	sadd.s32 s6, s3;
	s13 =	sshrl.u32 s8, $0x3  }
0x134: {  	[tilespmem:s20], [sflag:$0x3] =	stream.linear.gather [hbm4b:s12+s4], $0x80, $0x38;
	[tilespmem:$0x1FB80] =	vst v63  }
0x135: {  	s14 =	sadd.s32 s6, s13  }
0x136: {  	[tilespmem:s22], [sflag:$0x3] =	stream.linear.gather [hbm4b:s14+s4], $0x80, $0x38;
	[tilespmem:$0x1FB80] =	vst v63  }
0x137: {  	_ =	swait.ge [sflag:s23], $0x80  }
0x138: {  	[sflag:s23] =	ssyncset.done $0x0  }
0x139: {  	[sflag:s23] =	ssyncadd.s32 $0xFFFFFF80  }
0x13a: {  	[spmem:s2] =	stream.indirect.scatter.add.f32 [tilespmem:s24], [sflag:$0x2], $0x80, s18, s19, $0xb8;
	[tilespmem:$0x1FB80] =	vst v63  }
0x13b: {  	_ =	swait.ge [sflag:s23], $0x80  }
0x13c: {  	[sflag:s23] =	ssyncset.done $0x0  }
0x13d: {  	[sflag:s23] =	ssyncadd.s32 $0xFFFFFF80  }
0x13e: {  	[spmem:s2] =	stream.indirect.scatter.add.f32 [tilespmem:s24], [sflag:$0x2], $0x80, s20, s19, $0xb8;
	[tilespmem:$0x1FB80] =	vst v63  }
0x13f: {  	_ =	swait.ge [sflag:s23], $0x80  }
0x140: {  	[sflag:s23] =	ssyncset.done $0x0  }
0x141: {  	[sflag:s23] =	ssyncadd.s32 $0xFFFFFF80  }
0x142: {  	[spmem:s2] =	stream.indirect.scatter.add.f32 [tilespmem:s24], [sflag:$0x2], $0x80, s22, s19, $0xb8;
	[tilespmem:$0x1FB80] =	vst v63  }
0x143: {  	_ =	swait.ge [sflag:s29], $0x4000  }
0x144: {  	[sflag:s29] =	ssyncset.done $0x0  }
0x145: {  	[sflag:s29] =	ssyncadd.s32 $0xFFFFC000  }
0x146: {  	_ =	swait.ge [sflag:s29], $0x4000  }
.Ltmp7:
0x147: {  	[sflag:s29] =	ssyncset.done $0x0;
	(pc) =	sbr.rel @!p1 .LBB2_10-.Ltmp7, $4  }
0x148: {  	[sflag:s29] =	ssyncadd.s32 $0xFFFFC000  }
0x149: {  	_ =	swait.ge [sflag:s29], $0x4000  }
0x14a: {  	[sflag:s29] =	ssyncset.done $0x0  }
0x14b: {  	[sflag:s29] =	ssyncadd.s32 $0xFFFFC000  }
.Ltmp8:
0x14c: {  	(pc) =	sbr.rel @p0 .LBB2_13-.Ltmp8, $4  }
.Ltmp9:
0x14d: {  	(pc) =	sbr.rel @!p0 .LBB2_12-.Ltmp9, $4  }
0x14e: {  	_ = 	snop  }
0x14f: {  	[bflag:$0x0] =	sbarrier.arrive $0xFFFF  }
0x150: {  	_ = 	snop  }
0x151: {  	_ = 	snop  }
.LBB2_14:
0x152: {  	_ =	sfence.sel $0x180000  }
0x153: {  	[bflag:$0x0] =	sbarrier.arrive $0xFFFF  }
0x154: {  	_ =	strace $0x90000047  }
0x155: {  	s0 =	stileid.u32;
	[bflag:$0x2] =	sbarrier.arrive $0xFFFF  }
0x156: {  	p0 =	sne.s32 s0, $0x0;
	s0 =	rddreg [dreg:$0x4]  }
0x157: {  	s0 =	sadd.s32 @!p0 $0x100000, s0  }
0x158: {  	[sflag:s0] =	ssyncadd.tile.s32 @!p0 $0x1;
	_ =	shalt  }
.Lfunc_end2:
_tile_overlayer_lowered:
.L_overlay_start_2:
0x159: {  	(tag) =	ssettag $0x2  }
0x15a: {  	s0 =	rddreg [dreg:$0x0];
	s2 =	stileid.u32  }
0x15b: {  	s1 =	rddreg [dreg:$0x1];
	p0 =	sne.s32 s2, $0x0  }
0x15c: {  	s3 =	rddreg [dreg:$0x2];
	[bflag:$0x3] =	sbarrier.arrive $0xFFFF;
	s2 =	simm.s32 @!p0 $0x1C04  }
0x15d: {  	[timem:s3], [sflag:s2] =	dma.local @!p0 [hbm:s0], s1  }
0x15e: {  	s0 =	simm.s32 @!p0 $0x4  }
0x15f: {  	_ =	swait.ge @!p0 [sflag:s0], s1  }
0x160: {  	s1 =	ssub.s32 @!p0 $0x0, s1;
	[sflag:s0] =	ssyncset.done @!p0 $0x0  }
0x161: {  	[sflag:s0] =	ssyncadd.s32 @!p0 s1  }
0x162: {  	[bflag:$0x3] =	sbarrier.arrive $0xFFFF  }
0x163: {  	_ =	shalt  }

// kernel: kernel.9.cloned.1.call-start
scs
__scs_entry_jumppad:
0x0: {  	(pc) =	sbr.rel $0x88, $3  }
0x1: {  	(tag) =	ssettag $0x0;
	lr =	simm.s32 $0x1  }
0x2: {  	[smem:$0x3F96] =	sst lr;
	_ =	strace $0xD0000000  }
0x3: {  	_ = 	snop  }
0x4: {  	_ = 	snop  }
0x5: {  	_ = 	snop  }
0x6: {  	_ = 	snop  }
0x7: {  	_ = 	snop  }
__scs_overlays_trampoline_lowered:
0x8: {  	[smem:$0x3FA5] =	sst s0  }
0x9: {  	[smem:$0x3FA6] =	sst s1  }
0xa: {  	[smem:$0x3FA7] =	sst s2  }
0xb: {  	[smem:$0x3FA8] =	sst s3  }
0xc: {  	[smem:$0x3FA9] =	sst s4  }
0xd: {  	[smem:$0x3FAA] =	sst s5  }
0xe: {  	[smem:$0x3FAB] =	sst s6  }
0xf: {  	[smem:$0x3FAC] =	sst s7  }
0x10: {  	[smem:$0x3FAD] =	sst s8  }
0x11: {  	[smem:$0x3FAE] =	sst s9;
	s0 =	simm.s32 @!p0 $0x0  }
0x12: {  	s1 =	sld [smem:$0x3F94];
	s0 =	simm.s32 @p0 $0x1  }
0x13: {  	[smem:$0x3FAF] =	sst s0;
	s0 =	simm.s32 @!p1 $0x0  }
0x14: {  	s2 =	sld [smem:$0x3F93];
	s0 =	simm.s32 @p1 $0x1  }
0x15: {  	[smem:$0x3FB0] =	sst s0;
	s0 =	simm.s32 @!p2 $0x0  }
0x16: {  	s3 =	sld [smem:$0x3FDB];
	s0 =	simm.s32 @p2 $0x1  }
0x17: {  	s4 =	simm.s32 $0x1BF5;
	[smem:$0x3FB2] =	sst s0  }
0x18: {  	s0 =	sld [smem:$0x3F95];
	_ =	swait.ge [sflag:s4], $0x0  }
0x19: {  	s7 =	sld [smem:$0x3F96]  }
0x1a: {  	s8 =	sadd.s32 $0xFFFFE003, lr  }
0x1b: {  	s9 =	sadd.s32 $0xFFFFFEF7, lr;
	s5 =	simm.s32 $0xFFFFFFFF;
	p2 =	slt.u32 s8, $0xFFFFF086  }
0x1c: {  	p1 =	slt.u32 s9, $0xF7A;
	s5 =	simm.s32 @!p2 $0x0  }
0x1d: {  	s5 =	simm.s32 @p1 $0x1;
	p0 =	seq.s32 s7, s2  }
0x1e: {  	s7 =	smul.u32 @!p0 $0xF7A, s2;
	p2 =	seq.s32 @!p0 s5, $0x0  }
0x1f: {  	s9 =	smul.u32 $0xF7A, s1;
	s8 =	simm.s32 @!p0 $0x1BF5;
	p2 =	por !p2, p0  }
0x20: {  	[sflag:s8] =	ssyncset.s32 @!p0 $0xFFFFF086;
	s6 =	sadd.s32 @!p0 s3, s7;
	s7 =	simm.s32 @!p0 $0x108  }
0x21: {  	s3 =	sadd.s32 s3, s9;
	s6 =	sadd.s32 @!p0 $0x88, s6;
	s7 =	simm.s32 @p2 $0x1082  }
0x22: {  	[simem:s7], [sflag:s8] =	dma.local @!p0 [hbm:s6], $0xF7A  }
0x23: {  	s9 =	sor.u32 $0xD0000000, s2;
	s6 =	simm.s32 $0x108;
	_ =	swait.ge @!p0 [sflag:s8], $0x0  }
0x24: {  	s3 =	sadd.s32 $0x88, s3;
	s6 =	simm.s32 @!p1 $0x1082;
	[sflag:s4] =	ssyncset.s32 $0xFFFFF086  }
0x25: {  	[simem:s6], [sflag:s4] =	dma.local [hbm:s3], $0xF7A  }
0x26: {  	[smem:$0x3F96] =	sst s1;
	(tag) =	ssettag s2;
	_ =	strace s9  }
0x27: {  	s1 =	sld [smem:$0x3FA6]  }
0x28: {  	s2 =	sld [smem:$0x3FA7]  }
0x29: {  	s4 =	sld [smem:$0x3FA9]  }
0x2a: {  	p0 =	seq.s32 s5, $0x0;
	s5 =	sld [smem:$0x3FAA]  }
0x2b: {  	s6 =	sld [smem:$0x3FAB]  }
0x2c: {  	s7 =	sld [smem:$0x3FAC]  }
0x2d: {  	s3 =	simm.s32 $0x108;
	s8 =	sld [smem:$0x3FAD]  }
0x2e: {  	s3 =	simm.s32 @!p0 $0x1082;
	s9 =	sld [smem:$0x3FAE]  }
0x2f: {  	lr =	sadd.s32 s0, s3;
	s0 =	sld [smem:$0x3FA5]  }
0x30: {  	s3 =	sld [smem:$0x3FA8]  }
0x31: {  	[smem:$0x3FB1] =	sst s10  }
0x32: {  	s10 =	sld [smem:$0x3FAF];
	_ =	sdelay $0x3  }
0x33: {  	p0 =	seq.s32 s10, $0x1;
	s10 =	sld [smem:$0x3FB1];
	_ =	sdelay $0x3  }
0x34: {  	[smem:$0x3FB1] =	sst s10  }
0x35: {  	s10 =	sld [smem:$0x3FB0];
	_ =	sdelay $0x3  }
0x36: {  	p1 =	seq.s32 s10, $0x1;
	s10 =	sld [smem:$0x3FB1];
	_ =	sdelay $0x3  }
0x37: {  	[smem:$0x3FB1] =	sst s10  }
0x38: {  	s10 =	sld [smem:$0x3FB2]  }
0x39: {  	_ = 	snop;
	(pc) =	sbr.ind lr, $3  }
0x3a: {  	_ = 	snop  }
0x3b: {  	_ = 	snop  }
0x3c: {  	p2 =	seq.s32 s10, $0x1;
	s10 =	sld [smem:$0x3FB1]  }
0x3d: {  	_ =	shalt  }
0x3e: {  	_ =	shalt  }
0x3f: {  	_ =	shalt  }
0x40: {  	_ =	shalt  }
0x41: {  	_ =	shalt  }
0x42: {  	_ =	shalt  }
0x43: {  	_ =	shalt  }
0x44: {  	_ =	shalt  }
0x45: {  	_ =	shalt  }
0x46: {  	_ =	shalt  }
0x47: {  	_ =	shalt  }
0x48: {  	_ =	shalt  }
0x49: {  	_ =	shalt  }
0x4a: {  	_ =	shalt  }
0x4b: {  	_ =	shalt  }
0x4c: {  	_ =	shalt  }
0x4d: {  	_ =	shalt  }
0x4e: {  	_ =	shalt  }
0x4f: {  	_ =	shalt  }
0x50: {  	_ =	shalt  }
0x51: {  	_ =	shalt  }
0x52: {  	_ =	shalt  }
0x53: {  	_ =	shalt  }
0x54: {  	_ =	shalt  }
0x55: {  	_ =	shalt  }
0x56: {  	_ =	shalt  }
0x57: {  	_ =	shalt  }
0x58: {  	_ =	shalt  }
0x59: {  	_ =	shalt  }
0x5a: {  	_ =	shalt  }
0x5b: {  	_ =	shalt  }
0x5c: {  	_ =	shalt  }
0x5d: {  	_ =	shalt  }
0x5e: {  	_ =	shalt  }
0x5f: {  	_ =	shalt  }
0x60: {  	_ =	shalt  }
0x61: {  	_ =	shalt  }
0x62: {  	_ =	shalt  }
0x63: {  	_ =	shalt  }
0x64: {  	_ =	shalt  }
0x65: {  	_ =	shalt  }
0x66: {  	_ =	shalt  }
0x67: {  	_ =	shalt  }
0x68: {  	_ =	shalt  }
0x69: {  	_ =	shalt  }
0x6a: {  	_ =	shalt  }
0x6b: {  	_ =	shalt  }
0x6c: {  	_ =	shalt  }
0x6d: {  	_ =	shalt  }
0x6e: {  	_ =	shalt  }
0x6f: {  	_ =	shalt  }
0x70: {  	_ =	shalt  }
0x71: {  	_ =	shalt  }
0x72: {  	_ =	shalt  }
0x73: {  	_ =	shalt  }
0x74: {  	_ =	shalt  }
0x75: {  	_ =	shalt  }
0x76: {  	_ =	shalt  }
0x77: {  	_ =	shalt  }
0x78: {  	_ =	shalt  }
0x79: {  	_ =	shalt  }
0x7a: {  	_ =	shalt  }
0x7b: {  	_ =	shalt  }
0x7c: {  	_ =	shalt  }
0x7d: {  	_ =	shalt  }
0x7e: {  	_ =	shalt  }
0x7f: {  	_ =	shalt  }
0x80: {  	_ =	shalt  }
0x81: {  	_ =	shalt  }
0x82: {  	_ =	shalt  }
0x83: {  	_ =	shalt  }
0x84: {  	_ =	shalt  }
0x85: {  	_ =	shalt  }
0x86: {  	_ =	shalt  }
0x87: {  	_ =	shalt  }
.Lfunc_end0:
.L_simem_size_0:
called_computation.1_lowered:
.L_overlay_start_0:
0x88: {  	s2 =	sld [smem:$0x3FD9]  }
0x89: {  	s3 =	sld [smem:$0x3FFE];
	_ =	sdelay $0x1  }
0x8a: {  	s1 =	srdreg.scid  }
0x8b: {  	s0 =	sand.u32 $0x1, s1  }
0x8c: {  	s17 =	sshll.u32 s0, $0xA;
	s2 =	sadd.s32 s3, s2  }
0x8d: {  	s2 =	sadd.s32 s2, s17  }
0x8e: {  	[smem:$0x3FBD] =	sst s2  }
0x8f: {  	_ = 	snop  }
0x90: {  	s2 =	sld [smem:$0x3FD0];
	(tm) =	ssettm $0x1  }
0x91: {  	s18 =	sld [smem:$0x3FFB];
	_ =	sdelay $0x3  }
0x92: {  	_ =	strace s18  }
0x93: {  	s3 =	sld [smem:$0x3FFC];
	_ =	sdelay $0x3  }
0x94: {  	_ =	strace s3  }
0x95: {  	s3 =	sld [smem:$0x3FFD];
	_ =	sdelay $0x3  }
0x96: {  	_ =	strace s3  }
0x97: {  	_ =	strace $0x8FFFFFFF  }
0x98: {  	s19 =	sld [smem:$0x3FDB];
	_ =	sdelay $0x1  }
0x99: {  	s4 =	simm.s32 $_scs_section_size  }
0x9a: {  	s5 =	simm.s32 $_size__tile_overlayer_lowered;
	s6 =	simm.s32 $_tile_overlayer_lowered  }
0x9b: {  	s22 =	simm.s32 $0x1BFF;
	s21 =	sshll.u32 s6, $0x1;
	s3 =	sadd.s32 s4, s19  }
0x9c: {  	s7 =	simm.s32 $0x0;
	s20 =	sshll.u32 s5, $0x1;
	s5 =	sadd.s32 s21, s3  }
0x9d: {  	[timem:s7], [sflag:s22] =	dma.local [hbm:s5], s20  }
0x9e: {  	_ =	swait.ge [sflag:s22], s20  }
0x9f: {  	s4 =	ssub.s32 $0x0, s20;
	[sflag:s22] =	ssyncset.done $0x0  }
0xa0: {  	[sflag:s22] =	ssyncadd.s32 s4;
	_ =	sdelay $0x1  }
0xa1: {  	s23 =	simm.s32 $0x1B8B  }
0xa2: {  	_ =	swait.ge [sflag:s23], $0x1  }
0xa3: {  	[sflag:s23] =	ssyncset.done $0x0  }
0xa4: {  	s25 =	simm.s32 $0x1B8E;
	s24 =	sld [smem:$0x3FFE];
	[sflag:s23] =	ssyncadd.s32 $0xFFFFFFFF  }
0xa5: {  	s26 =	simm.s32 $execute0_lowered;
	[smem:$0x3FD2] =	sst s25  }
0xa6: {  	s5 =	sshll.u32 s26, $0x1;
	_ =	strace $0x80000049;
	[dreg:$0x1] =	wrdreg $0xFFFFFFFF  }
0xa7: {  	s28 =	simm.s32 $_size_execute0_lowered;
	s3 =	sadd.s32 s3, s5;
	[dreg:$0x0] =	wrdreg $0x0  }
0xa8: {  	s5 =	sshll.u32 s28, $0x1;
	[dreg:$0x2] =	wrdreg s3  }
0xa9: {  	[dreg:$0x3] =	wrdreg s5  }
0xaa: {  	[dreg:$0x4] =	wrdreg $0xC0  }
0xab: {  	_ =	task [dreg:s7], $0x5FFFF  }
0xac: {  	[dreg:$0x1] =	wrdreg $0xFFFFFFFF  }
0xad: {  	[dreg:$0x0] =	wrdreg $0x60  }
0xae: {  	[dreg:$0x2] =	wrdreg s24  }
0xaf: {  	[dreg:$0x3] =	wrdreg s2  }
0xb0: {  	[dreg:$0x4] =	wrdreg $0xC3000  }
0xb1: {  	[dreg:$0x5] =	wrdreg $0x9  }
0xb2: {  	_ =	task.clear_ibuf [dreg:s7], $0x6FFFF;
	_ =	strace $0x90000049  }
0xb3: {  	s29 =	simm.s32 $0x9;
	_ =	strace $0x8000004B  }
0xb4: {  	_ =	swait.ge [sflag:s29], $0x1  }
0xb5: {  	[sflag:s29] =	ssyncadd.s32 $0xFFFFFFFF  }
0xb6: {  	_ =	strace $0x9000004B  }
0xb7: {  	_ =	sfence  }
0xb8: {  	s30 =	sld [smem:$0x0];
	_ =	sdelay $0x2  }
0xb9: {  	s31 =	sshll.u32 s1, $0xD;
	s1 =	sshrl.u32 s1, $0x2  }
0xba: {  	s3 =	sand.u32 $0x4000, s31;
	s1 =	sadd.s32 s1, s30  }
0xbb: {  	s0 =	sor.u32 s3, s0;
	s1 =	sshll.u32 s1, $0x11  }
0xbc: {  	s0 =	sor.u32 s1, s0  }
0xbd: {  	s0 =	sadd.s32 $0x8F2B, s0  }
0xbe: {  	[sflag:s0] =	ssyncadd.remote.s32 $0x1  }
0xbf: {  	_ =	sfence.sel $0xFFFF  }
0xc0: {  	[dreg:$0x0] =	wrdreg $0xFFFFFFFF;
	(pc) =	sbr.abs _section_cstart, $3  }
0xc1: {  	[dreg:$0x1] =	wrdreg $0xFFFFFFFF  }
0xc2: {  	_ =	task.clear_ibuf [dreg:s7], $0x2FFFF;
	_ =	strace $0x9FFFFFFF  }
0xc3: {  	(tm) =	ssettm $0x7FFFFFFF  }
tec
execute0_lowered:
.L_overlay_start_1:
0x0: {  	(tag) =	ssettag $0x1  }
0x1: {  	s0 =	rddreg [dreg:$0x0]  }
0x2: {  	s1 =	rddreg [dreg:$0x1]  }
0x3: {  	s2 =	rddreg [dreg:$0x2];
	s3 =	simm.s32 $0x0  }
0x4: {  	s4 =	srdreg.scid;
	s26 =	stileid.u32;
	s16 =	simm.s32 $0x180  }
0x5: {  	s17 =	simm.s32 $0x80;
	s18 =	simm.s32 $0x200;
	s19 =	simm.s32 $0x100  }
0x6: {  	s20 =	simm.s32 $0x280;
	s21 =	simm.s32 $0x3;
	s22 =	simm.s32 $0x300  }
0x7: {  	s23 =	simm.s32 $0x4300;
	s28 =	simm.s32 $0x4;
	s29 =	simm.s32 $0x0  }
0x8: {  	[smem:$0x7FF] =	sst s3;
	s7 =	sand.u32 $0x1, s4;
	s24 =	sshll.u32 s26, $0x1  }
0x9: {  	s4 =	sadd.s32 $0x1DE00, s0;
	s11 =	smul.u32 $0x3E800, s26;
	s5 =	sadd.s32 $0x1E00, s0  }
0xa: {  	s6 =	sadd.s32 $0xBE00, s0;
	s13 =	smul.u32 $0xFA000, s26;
	p0 =	sgt.u32 s26, $0x4  }
0xb: {  	p1 =	sgt.u32 s26, $0x1;
	_ =	strace $0x8000004A;
	s9 =	sor.u32 s7, s24  }
0xc: {  	s8 =	smul.u32 $0x138800, s7;
	s25 =	ssub.s32 $0x2, s7;
	s7 =	sadd.s32 $0x16000, s0  }
0xd: {  	s24 =	simm.s32 $0x8300;
	s10 =	sshll.u32 s9, $0x4;
	s14 =	sshrl.u32 s25, $0x1  }
0xe: {  	s30 =	sshrl.u32 s13, $0x2;
	s9 =	smul.u32 $0x2800, s9;
	s12 =	sadd.s32 s10, s0  }
0xf: {  	s8 =	sadd.s32 s11, s8;
	s14 =	ssub.s32 s25, s14;
	s1 =	sadd.s32 s1, s10  }
.Ltmp0:
0x10: {  	s25 =	simm.s32 $0x1;
	s8 =	sshrl.u32 s8, $0x3;
	(pc) =	sbr.rel .LBB2_1-.Ltmp0, $4  }
0x11: {  	[dreg:$0x4] =	wrdreg s1;
	s31 =	sadd.s32 $0x15E00, s12;
	s1 =	sshll.u32 @!p0 s26, $0x6  }
0x12: {  	s13 =	smax.u32 s14, $0x1;
	s26 =	simm.s32 $0x2;
	s0 =	sadd.s32 s8, s0  }
0x13: {  	s8 =	sadd.s32 s30, s2;
	[dreg:$0x5] =	wrdreg s31;
	s0 =	sadd.s32 $0xBAA00, s0  }
0x14: {  	s14 =	sor.u32 @!p0 $0x1C04, s1;
	s15 =	sshrl.u32 @!p0 s8, $0x3;
	[dreg:$0x6] =	wrdreg s0  }
.LBB2_4:
0x15: {  	s0 =	rddreg [dreg:$0x4]  }
0x16: {  	[tilespmem:s16], [sflag:$0x4] =	stream.linear.gather [hbm4b:s0+s3], $0x80, $0x38;
	[tilespmem:$0x1FB80] =	vst v63  }
0x17: {  	_ =	swait.ge [sflag:s28], $0x80  }
0x18: {  	[sflag:s28] =	ssyncset.done $0x0  }
0x19: {  	s31 =	rddreg [dreg:$0x5];
	[sflag:s28] =	ssyncadd.s32 $0xFFFFFF80  }
0x1a: {  	[tilespmem:s18], [sflag:$0x4] =	stream.linear.gather [hbm4b:s31+s3], $0x80, $0x38;
	[tilespmem:$0x1FB80] =	vst v63  }
0x1b: {  	_ =	swait.ge [sflag:s28], $0x80  }
0x1c: {  	[sflag:s28] =	ssyncset.done $0x0  }
0x1d: {  	[sflag:s28] =	ssyncadd.s32 $0xFFFFFF80  }
0x1e: {  	[tilespmem:s22], [sflag:$0x1] =	stream.indirect.gather [hbm4b:s4+s17], $0x80, s16, s17, $0xb8;
	[tilespmem:$0x1FB80] =	vst v63  }
0x1f: {  	_ =	swait.ge [sflag:s25], $0x4000  }
0x20: {  	[sflag:s25] =	ssyncset.done $0x0  }
0x21: {  	[sflag:s25] =	ssyncadd.s32 $0xFFFFC000  }
0x22: {  	[spmem:s2] =	stream.indirect.scatter.add.f32 [tilespmem:s22], [sflag:$0x4], $0x80, s18, s17, $0xb8;
	[tilespmem:$0x1FB80] =	vst v63  }
0x23: {  	_ =	swait.ge [sflag:s28], $0x4000  }
0x24: {  	[sflag:s28] =	ssyncset.done $0x0  }
0x25: {  	[sflag:s28] =	ssyncadd.s32 $0xFFFFC000  }
0x26: {  	[bflag:$0x0] =	sbarrier.arrive $0xFFFF  }
.LBB2_6:
0x27: {  	s0 =	stileid.u32  }
0x28: {  	s0 =	sshll.u32 s0, $0x6  }
0x29: {  	s1 =	sshrl.u32 s8, $0x3;
	s10 =	rddreg [dreg:$0x6];
	s0 =	sor.u32 $0x1C04, s0  }
0x2a: {  	[hbm:s10], [sflag:s0] =	dma.local [spmem:s1], $0x7D00  }
0x2b: {  	_ =	swait.ge [sflag:s28], $0x7D00  }
0x2c: {  	[sflag:s28] =	ssyncset.done $0x0  }
0x2d: {  	[sflag:s28] =	ssyncadd.s32 $0xFFFF8300  }
.LBB2_7:
0x2e: {  	s29 =	sadd.s32 $0x1, s29  }
0x2f: {  	p2 =	sne.s32 s29, s13  }
.Ltmp1:
0x30: {  	_ = 	snop;
	(pc) =	sbr.rel @!p2 .LBB2_8-.Ltmp1, $1  }
0x31: {  	_ =	sdelay $0x3  }
.LBB2_1:
0x32: {  	[spmem:s15], [sflag:s14] =	dma.local @!p0 [hbm:s7], $0x7D00  }
0x33: {  	s0 =	simm.s32 @!p0 $0x4;
	s1 =	simm.s32 $0x0  }
0x34: {  	_ =	swait.ge @!p0 [sflag:s0], $0x7D00;
	s30 =	sand.u32 $0x3C00, s1  }
0x35: {  	s1 =	sand.u32 $0x380, s1;
	[sflag:s0] =	ssyncset.done @!p0 $0x0;
	s30 =	sadd.s32 s9, s30  }
0x36: {  	s11 =	simm.s32 $0x80;
	[sflag:s0] =	ssyncadd.s32 @!p0 $0xFFFF8300;
	s10 =	sor.u32 s1, s30  }
0x37: {  	s30 =	sand.u32 $0x7C00, s11;
	s1 =	sand.u32 $0x380, s11;
	s0 =	sshrl.u32 s10, $0x3  }
0x38: {  	[bflag:$0x0] =	sbarrier.arrive $0xFFFF;
	s30 =	sadd.s32 s9, s30;
	s31 =	sadd.s32 s5, s0  }
0x39: {  	s0 =	sadd.s32 s6, s0;
	s1 =	sor.u32 s1, s30;
	s30 =	sand.u32 $0x7C00, s19  }
0x3a: {  	[tilespmem:s3], [sflag:$0x3] =	stream.linear.gather [hbm4b:s31+s3], $0x80, $0x38;
	[tilespmem:$0x1FB80] =	vst v63  }
0x3b: {  	s1 =	sshrl.u32 s1, $0x3;
	s30 =	sadd.s32 s9, s30;
	s31 =	sand.u32 $0x380, s19  }
0x3c: {  	[tilespmem:s16], [sflag:$0x3] =	stream.linear.gather [hbm4b:s0+s3], $0x80, $0x38;
	[tilespmem:$0x1FB80] =	vst v63  }
0x3d: {  	s12 =	sadd.s32 s5, s1;
	s30 =	sor.u32 s31, s30  }
0x3e: {  	[tilespmem:s17], [sflag:$0x3] =	stream.linear.gather [hbm4b:s12+s3], $0x80, $0x38;
	[tilespmem:$0x1FB80] =	vst v63  }
0x3f: {  	s10 =	sadd.s32 s6, s1;
	s11 =	sshrl.u32 s30, $0x3  }
0x40: {  	[tilespmem:s18], [sflag:$0x3] =	stream.linear.gather [hbm4b:s10+s3], $0x80, $0x38;
	[tilespmem:$0x1FB80] =	vst v63  }
0x41: {  	s12 =	sadd.s32 s5, s11  }
0x42: {  	[tilespmem:s19], [sflag:$0x3] =	stream.linear.gather [hbm4b:s12+s3], $0x80, $0x38;
	[tilespmem:$0x1FB80] =	vst v63  }
0x43: {  	s10 =	sadd.s32 s6, s11  }
0x44: {  	[tilespmem:s20], [sflag:$0x3] =	stream.linear.gather [hbm4b:s10+s3], $0x80, $0x38;
	[tilespmem:$0x1FB80] =	vst v63  }
0x45: {  	_ =	swait.ge [sflag:s21], $0x80  }
0x46: {  	[sflag:s21] =	ssyncset.done $0x0  }
0x47: {  	[sflag:s21] =	ssyncadd.s32 $0xFFFFFF80  }
0x48: {  	[tilespmem:s22], [sflag:$0x1] =	stream.indirect.gather [hbm4b:s4+s17], $0x80, s3, s17, $0xb8;
	[tilespmem:$0x1FB80] =	vst v63  }
0x49: {  	_ =	swait.ge [sflag:s21], $0x80  }
0x4a: {  	[sflag:s21] =	ssyncset.done $0x0  }
0x4b: {  	[sflag:s21] =	ssyncadd.s32 $0xFFFFFF80  }
0x4c: {  	[tilespmem:s23], [sflag:$0x1] =	stream.indirect.gather [hbm4b:s4+s17], $0x80, s17, s17, $0xb8;
	[tilespmem:$0x1FB80] =	vst v63  }
0x4d: {  	_ =	swait.ge [sflag:s21], $0x80  }
0x4e: {  	[sflag:s21] =	ssyncset.done $0x0  }
0x4f: {  	[sflag:s21] =	ssyncadd.s32 $0xFFFFFF80  }
0x50: {  	[tilespmem:s24], [sflag:$0x1] =	stream.indirect.gather [hbm4b:s4+s17], $0x80, s19, s17, $0xb8;
	[tilespmem:$0x1FB80] =	vst v63  }
0x51: {  	_ =	swait.ge [sflag:s21], $0x80  }
0x52: {  	[sflag:s21] =	ssyncset.done $0x0  }
0x53: {  	[sflag:s21] =	ssyncadd.s32 $0xFFFFFF80  }
0x54: {  	_ =	swait.ge [sflag:s25], $0x4000  }
0x55: {  	[sflag:s25] =	ssyncset.done $0x0  }
0x56: {  	[sflag:s25] =	ssyncadd.s32 $0xFFFFC000  }
0x57: {  	[spmem:s2] =	stream.indirect.scatter.add.f32 [tilespmem:s22], [sflag:$0x2], $0x80, s16, s17, $0xb8;
	[tilespmem:$0x1FB80] =	vst v63  }
0x58: {  	_ =	swait.ge [sflag:s21], $0x80  }
0x59: {  	[sflag:s21] =	ssyncset.done $0x0  }
0x5a: {  	[sflag:s21] =	ssyncadd.s32 $0xFFFFFF80  }
0x5b: {  	_ =	swait.ge [sflag:s25], $0x4000  }
0x5c: {  	[sflag:s25] =	ssyncset.done $0x0  }
0x5d: {  	[sflag:s25] =	ssyncadd.s32 $0xFFFFC000  }
0x5e: {  	[spmem:s2] =	stream.indirect.scatter.add.f32 [tilespmem:s23], [sflag:$0x2], $0x80, s18, s17, $0xb8;
	[tilespmem:$0x1FB80] =	vst v63  }
0x5f: {  	_ =	swait.ge [sflag:s21], $0x80  }
0x60: {  	[sflag:s21] =	ssyncset.done $0x0  }
0x61: {  	[sflag:s21] =	ssyncadd.s32 $0xFFFFFF80  }
0x62: {  	_ =	swait.ge [sflag:s25], $0x4000  }
0x63: {  	[sflag:s25] =	ssyncset.done $0x0  }
0x64: {  	[sflag:s25] =	ssyncadd.s32 $0xFFFFC000  }
0x65: {  	[spmem:s2] =	stream.indirect.scatter.add.f32 [tilespmem:s24], [sflag:$0x2], $0x80, s20, s17, $0xb8;
	[tilespmem:$0x1FB80] =	vst v63  }
0x66: {  	s11 =	simm.s32 $0x180;
	_ =	swait.ge [sflag:s26], $0x4000  }
0x67: {  	s31 =	simm.s32 $0x400;
	s12 =	sand.u32 $0x3C00, s11;
	[sflag:s26] =	ssyncset.done $0x0  }
0x68: {  	s0 =	sand.u32 $0x380, s11;
	s1 =	sadd.s32 s9, s12;
	[sflag:s26] =	ssyncadd.s32 $0xFFFFC000  }
0x69: {  	s30 =	simm.s32 $0x280;
	s0 =	sor.u32 s0, s1;
	_ =	swait.ge [sflag:s26], $0x4000  }
0x6a: {  	s1 =	simm.s32 $0x200;
	s0 =	sshrl.u32 s0, $0x3;
	[sflag:s26] =	ssyncset.done $0x0  }
.LBB2_2:
0x6b: {  	s10 =	sadd.s32 s5, s0  }
0x6c: {  	s11 =	sand.u32 $0x7C00, s1;
	[sflag:s26] =	ssyncadd.s32 $0xFFFFC000;
	s12 =	smov.u32 s31  }
0x6d: {  	s1 =	sand.u32 $0x380, s1;
	s11 =	sadd.s32 s9, s11;
	_ =	swait.ge [sflag:s26], $0x4000  }
0x6e: {  	s0 =	sadd.s32 s6, s0;
	s1 =	sor.u32 s1, s11;
	[sflag:s26] =	ssyncset.done $0x0  }
0x6f: {  	s11 =	sand.u32 $0x7C00, s30;
	s1 =	sshrl.u32 s1, $0x3;
	[sflag:s26] =	ssyncadd.s32 $0xFFFFC000  }
0x70: {  	[tilespmem:s3], [sflag:$0x3] =	stream.linear.gather [hbm4b:s10+s3], $0x80, $0x38;
	[tilespmem:$0x1FB80] =	vst v63  }
0x71: {  	s30 =	sand.u32 $0x380, s30;
	s11 =	sadd.s32 s9, s11;
	s10 =	sadd.s32 s5, s1  }
0x72: {  	[tilespmem:s16], [sflag:$0x3] =	stream.linear.gather [hbm4b:s0+s3], $0x80, $0x38;
	[tilespmem:$0x1FB80] =	vst v63  }
0x73: {  	p2 =	sne.s32 s31, $0x2680;
	s31 =	sadd.s32 $0x180, s31;
	s0 =	sor.u32 s30, s11  }
0x74: {  	[tilespmem:s17], [sflag:$0x3] =	stream.linear.gather [hbm4b:s10+s3], $0x80, $0x38;
	[tilespmem:$0x1FB80] =	vst v63  }
0x75: {  	s1 =	sadd.s32 s6, s1;
	s30 =	smov.u32 s12;
	s0 =	sshrl.u32 s0, $0x3  }
0x76: {  	[tilespmem:s18], [sflag:$0x3] =	stream.linear.gather [hbm4b:s1+s3], $0x80, $0x38;
	[tilespmem:$0x1FB80] =	vst v63  }
0x77: {  	s1 =	sadd.s32 s5, s0;
	s0 =	sadd.s32 s6, s0  }
0x78: {  	[tilespmem:s19], [sflag:$0x3] =	stream.linear.gather [hbm4b:s1+s3], $0x80, $0x38;
	[tilespmem:$0x1FB80] =	vst v63  }
0x79: {  	_ = 	snop  }
0x7a: {  	[tilespmem:s20], [sflag:$0x3] =	stream.linear.gather [hbm4b:s0+s3], $0x80, $0x38;
	[tilespmem:$0x1FB80] =	vst v63  }
0x7b: {  	_ =	swait.ge [sflag:s21], $0x80  }
0x7c: {  	[sflag:s21] =	ssyncset.done $0x0  }
0x7d: {  	[sflag:s21] =	ssyncadd.s32 $0xFFFFFF80  }
0x7e: {  	[tilespmem:s22], [sflag:$0x1] =	stream.indirect.gather [hbm4b:s4+s17], $0x80, s3, s17, $0xb8;
	[tilespmem:$0x1FB80] =	vst v63  }
0x7f: {  	_ =	swait.ge [sflag:s21], $0x80  }
0x80: {  	[sflag:s21] =	ssyncset.done $0x0  }
0x81: {  	[sflag:s21] =	ssyncadd.s32 $0xFFFFFF80  }
0x82: {  	[tilespmem:s23], [sflag:$0x1] =	stream.indirect.gather [hbm4b:s4+s17], $0x80, s17, s17, $0xb8;
	[tilespmem:$0x1FB80] =	vst v63  }
0x83: {  	_ =	swait.ge [sflag:s21], $0x80  }
0x84: {  	[sflag:s21] =	ssyncset.done $0x0  }
0x85: {  	[sflag:s21] =	ssyncadd.s32 $0xFFFFFF80  }
0x86: {  	[tilespmem:s24], [sflag:$0x1] =	stream.indirect.gather [hbm4b:s4+s17], $0x80, s19, s17, $0xb8;
	[tilespmem:$0x1FB80] =	vst v63  }
0x87: {  	_ =	swait.ge [sflag:s21], $0x80  }
0x88: {  	[sflag:s21] =	ssyncset.done $0x0  }
0x89: {  	[sflag:s21] =	ssyncadd.s32 $0xFFFFFF80  }
0x8a: {  	_ =	swait.ge [sflag:s25], $0x4000  }
0x8b: {  	[sflag:s25] =	ssyncset.done $0x0  }
0x8c: {  	[sflag:s25] =	ssyncadd.s32 $0xFFFFC000  }
0x8d: {  	[spmem:s2] =	stream.indirect.scatter.add.f32 [tilespmem:s22], [sflag:$0x2], $0x80, s16, s17, $0xb8;
	[tilespmem:$0x1FB80] =	vst v63  }
0x8e: {  	_ =	swait.ge [sflag:s21], $0x80  }
0x8f: {  	[sflag:s21] =	ssyncset.done $0x0  }
0x90: {  	[sflag:s21] =	ssyncadd.s32 $0xFFFFFF80  }
0x91: {  	_ =	swait.ge [sflag:s25], $0x4000  }
0x92: {  	[sflag:s25] =	ssyncset.done $0x0  }
0x93: {  	[sflag:s25] =	ssyncadd.s32 $0xFFFFC000  }
0x94: {  	[spmem:s2] =	stream.indirect.scatter.add.f32 [tilespmem:s23], [sflag:$0x2], $0x80, s18, s17, $0xb8;
	[tilespmem:$0x1FB80] =	vst v63  }
0x95: {  	_ =	swait.ge [sflag:s21], $0x80  }
0x96: {  	[sflag:s21] =	ssyncset.done $0x0  }
0x97: {  	[sflag:s21] =	ssyncadd.s32 $0xFFFFFF80  }
0x98: {  	_ =	swait.ge [sflag:s25], $0x4000  }
0x99: {  	[sflag:s25] =	ssyncset.done $0x0  }
0x9a: {  	[sflag:s25] =	ssyncadd.s32 $0xFFFFC000  }
0x9b: {  	[spmem:s2] =	stream.indirect.scatter.add.f32 [tilespmem:s24], [sflag:$0x2], $0x80, s20, s17, $0xb8;
	[tilespmem:$0x1FB80] =	vst v63  }
.Ltmp2:
0x9c: {  	s0 =	sadd.s32 $0xFFFFFF00, s30;
	_ =	swait.ge [sflag:s26], $0x4000;
	(pc) =	sbr.rel @p2 .LBB2_2-.Ltmp2, $4  }
0x9d: {  	s1 =	sand.u32 $0x3C00, s0;
	s0 =	sand.u32 $0x380, s0;
	[sflag:s26] =	ssyncset.done $0x0  }
0x9e: {  	s1 =	sadd.s32 s9, s1;
	[sflag:s26] =	ssyncadd.s32 $0xFFFFC000  }
0x9f: {  	s0 =	sor.u32 s0, s1;
	_ =	swait.ge [sflag:s26], $0x4000  }
0xa0: {  	s1 =	sadd.s32 $0xFFFFFF80, s30;
	s0 =	sshrl.u32 s0, $0x3;
	[sflag:s26] =	ssyncset.done $0x0  }
0xa1: {  	s10 =	sand.u32 $0x7C00, s1;
	[sflag:s26] =	ssyncadd.s32 $0xFFFFC000  }
0xa2: {  	s11 =	sadd.s32 s5, s0;
	s12 =	sand.u32 $0x380, s1;
	_ =	swait.ge [sflag:s26], $0x4000  }
0xa3: {  	s31 =	sadd.s32 s6, s0;
	s10 =	sadd.s32 s9, s10;
	[sflag:s26] =	ssyncset.done $0x0  }
0xa4: {  	s1 =	sor.u32 s12, s10;
	s12 =	sand.u32 $0x7C00, s30;
	[sflag:s26] =	ssyncadd.s32 $0xFFFFC000  }
0xa5: {  	[tilespmem:s3], [sflag:$0x3] =	stream.linear.gather [hbm4b:s11+s3], $0x80, $0x38;
	[tilespmem:$0x1FB80] =	vst v63  }
0xa6: {  	s30 =	sand.u32 $0x380, s30;
	s1 =	sshrl.u32 s1, $0x3;
	s10 =	sadd.s32 s9, s12  }
0xa7: {  	[tilespmem:s16], [sflag:$0x3] =	stream.linear.gather [hbm4b:s31+s3], $0x80, $0x38;
	[tilespmem:$0x1FB80] =	vst v63  }
0xa8: {  	s10 =	sor.u32 s30, s10;
	s31 =	sadd.s32 s5, s1  }
0xa9: {  	[tilespmem:s17], [sflag:$0x3] =	stream.linear.gather [hbm4b:s31+s3], $0x80, $0x38;
	[tilespmem:$0x1FB80] =	vst v63  }
0xaa: {  	s11 =	sadd.s32 s6, s1;
	s12 =	sshrl.u32 s10, $0x3  }
0xab: {  	[tilespmem:s18], [sflag:$0x3] =	stream.linear.gather [hbm4b:s11+s3], $0x80, $0x38;
	[tilespmem:$0x1FB80] =	vst v63  }
0xac: {  	s30 =	sadd.s32 s5, s12  }
0xad: {  	[tilespmem:s19], [sflag:$0x3] =	stream.linear.gather [hbm4b:s30+s3], $0x80, $0x38;
	[tilespmem:$0x1FB80] =	vst v63  }
0xae: {  	s31 =	sadd.s32 s6, s12  }
0xaf: {  	[tilespmem:s20], [sflag:$0x3] =	stream.linear.gather [hbm4b:s31+s3], $0x80, $0x38;
	[tilespmem:$0x1FB80] =	vst v63  }
0xb0: {  	_ =	swait.ge [sflag:s21], $0x80  }
0xb1: {  	[sflag:s21] =	ssyncset.done $0x0  }
0xb2: {  	[sflag:s21] =	ssyncadd.s32 $0xFFFFFF80  }
0xb3: {  	[tilespmem:s22], [sflag:$0x1] =	stream.indirect.gather [hbm4b:s4+s17], $0x80, s3, s17, $0xb8;
	[tilespmem:$0x1FB80] =	vst v63  }
0xb4: {  	_ =	swait.ge [sflag:s21], $0x80  }
0xb5: {  	[sflag:s21] =	ssyncset.done $0x0  }
0xb6: {  	[sflag:s21] =	ssyncadd.s32 $0xFFFFFF80  }
0xb7: {  	[tilespmem:s23], [sflag:$0x1] =	stream.indirect.gather [hbm4b:s4+s17], $0x80, s17, s17, $0xb8;
	[tilespmem:$0x1FB80] =	vst v63  }
0xb8: {  	_ =	swait.ge [sflag:s21], $0x80  }
0xb9: {  	[sflag:s21] =	ssyncset.done $0x0  }
0xba: {  	[sflag:s21] =	ssyncadd.s32 $0xFFFFFF80  }
0xbb: {  	[tilespmem:s24], [sflag:$0x1] =	stream.indirect.gather [hbm4b:s4+s17], $0x80, s19, s17, $0xb8;
	[tilespmem:$0x1FB80] =	vst v63  }
0xbc: {  	_ =	swait.ge [sflag:s21], $0x80  }
0xbd: {  	[sflag:s21] =	ssyncset.done $0x0  }
0xbe: {  	[sflag:s21] =	ssyncadd.s32 $0xFFFFFF80  }
0xbf: {  	_ =	swait.ge [sflag:s25], $0x4000  }
0xc0: {  	[sflag:s25] =	ssyncset.done $0x0  }
0xc1: {  	[sflag:s25] =	ssyncadd.s32 $0xFFFFC000  }
0xc2: {  	[spmem:s2] =	stream.indirect.scatter.add.f32 [tilespmem:s22], [sflag:$0x2], $0x80, s16, s17, $0xb8;
	[tilespmem:$0x1FB80] =	vst v63  }
0xc3: {  	_ =	swait.ge [sflag:s21], $0x80  }
0xc4: {  	[sflag:s21] =	ssyncset.done $0x0  }
0xc5: {  	[sflag:s21] =	ssyncadd.s32 $0xFFFFFF80  }
0xc6: {  	_ =	swait.ge [sflag:s25], $0x4000  }
0xc7: {  	[sflag:s25] =	ssyncset.done $0x0  }
0xc8: {  	[sflag:s25] =	ssyncadd.s32 $0xFFFFC000  }
0xc9: {  	[spmem:s2] =	stream.indirect.scatter.add.f32 [tilespmem:s23], [sflag:$0x2], $0x80, s18, s17, $0xb8;
	[tilespmem:$0x1FB80] =	vst v63  }
0xca: {  	_ =	swait.ge [sflag:s21], $0x80  }
0xcb: {  	[sflag:s21] =	ssyncset.done $0x0  }
0xcc: {  	[sflag:s21] =	ssyncadd.s32 $0xFFFFFF80  }
0xcd: {  	_ =	swait.ge [sflag:s25], $0x4000  }
0xce: {  	[sflag:s25] =	ssyncset.done $0x0  }
0xcf: {  	[sflag:s25] =	ssyncadd.s32 $0xFFFFC000  }
0xd0: {  	[spmem:s2] =	stream.indirect.scatter.add.f32 [tilespmem:s24], [sflag:$0x2], $0x80, s20, s17, $0xb8;
	[tilespmem:$0x1FB80] =	vst v63  }
0xd1: {  	_ =	swait.ge [sflag:s26], $0x4000  }
0xd2: {  	[sflag:s26] =	ssyncset.done $0x0  }
0xd3: {  	[sflag:s26] =	ssyncadd.s32 $0xFFFFC000  }
0xd4: {  	_ =	swait.ge [sflag:s26], $0x4000  }
.Ltmp3:
0xd5: {  	[sflag:s26] =	ssyncset.done $0x0;
	(pc) =	sbr.rel @!p1 .LBB2_4-.Ltmp3, $4  }
0xd6: {  	[sflag:s26] =	ssyncadd.s32 $0xFFFFC000  }
0xd7: {  	_ =	swait.ge [sflag:s26], $0x4000  }
0xd8: {  	[sflag:s26] =	ssyncset.done $0x0  }
0xd9: {  	[sflag:s26] =	ssyncadd.s32 $0xFFFFC000  }
.Ltmp4:
0xda: {  	(pc) =	sbr.rel @p0 .LBB2_7-.Ltmp4, $4  }
.Ltmp5:
0xdb: {  	(pc) =	sbr.rel @!p0 .LBB2_6-.Ltmp5, $4  }
0xdc: {  	_ = 	snop  }
0xdd: {  	[bflag:$0x0] =	sbarrier.arrive $0xFFFF  }
0xde: {  	_ = 	snop  }
0xdf: {  	_ = 	snop  }
.LBB2_8:
0xe0: {  	_ =	sfence.sel $0x180000  }
0xe1: {  	[bflag:$0x0] =	sbarrier.arrive $0xFFFF  }
0xe2: {  	_ =	strace $0x9000004A  }
0xe3: {  	s0 =	stileid.u32;
	[bflag:$0x2] =	sbarrier.arrive $0xFFFF  }
0xe4: {  	p0 =	sne.s32 s0, $0x0;
	s0 =	rddreg [dreg:$0x3]  }
0xe5: {  	s0 =	sadd.s32 @!p0 $0x100000, s0  }
0xe6: {  	[sflag:s0] =	ssyncadd.tile.s32 @!p0 $0x1;
	_ =	shalt  }
.Lfunc_end2:
_tile_overlayer_lowered:
.L_overlay_start_2:
0xe7: {  	(tag) =	ssettag $0x2  }
0xe8: {  	s0 =	rddreg [dreg:$0x0];
	s2 =	stileid.u32  }
0xe9: {  	s1 =	rddreg [dreg:$0x1];
	p0 =	sne.s32 s2, $0x0  }
0xea: {  	s3 =	rddreg [dreg:$0x2];
	[bflag:$0x3] =	sbarrier.arrive $0xFFFF;
	s2 =	simm.s32 @!p0 $0x1C04  }
0xeb: {  	[timem:s3], [sflag:s2] =	dma.local @!p0 [hbm:s0], s1  }
0xec: {  	s0 =	simm.s32 @!p0 $0x4  }
0xed: {  	_ =	swait.ge @!p0 [sflag:s0], s1  }
0xee: {  	s1 =	ssub.s32 @!p0 $0x0, s1;
	[sflag:s0] =	ssyncset.done @!p0 $0x0  }
0xef: {  	[sflag:s0] =	ssyncadd.s32 @!p0 s1  }
0xf0: {  	[bflag:$0x3] =	sbarrier.arrive $0xFFFF  }
0xf1: {  	_ =	shalt  }

</sc_bundles>
